<compile_context>
chip_gen: v7x
topology: tpu7x:2x2x1
jax: 0.10.2.dev20260603
libtpu: 0.0.44.dev20260713+nightly
codegen_flags: <defaults>
</compile_context>

<pallas_src>
import functools

import jax
import jax.numpy as jnp
from jax import lax
from jax.experimental import pallas as pl
from jax.experimental.pallas import tpu as pltpu
from jax.experimental.pallas import tpu_sc as plsc

BATCH = 16384
N_FIXED = 128
K_DIM = 32
VOCAB = 1_000_000

_NC = 2
_NS = 16
_NW = _NC * _NS
_BPW = BATCH // _NW
_G = 16
_NG = _BPW // _G


def _make_sc_gather():
    mesh = plsc.VectorSubcoreMesh(core_axis_name="c", subcore_axis_name="s")

    @functools.partial(
        pl.kernel,
        mesh=mesh,
        out_type=jax.ShapeDtypeStruct((4, 8, BATCH), jnp.float32),
        scratch_types=[
            pltpu.VMEM((_BPW,), jnp.int32),
            pltpu.VMEM((_G * 4, 8, 128), jnp.float32),
            pltpu.VMEM((4, 8, _BPW), jnp.float32),
            pltpu.SemaphoreType.DMA,
        ],
        compiler_params=pltpu.CompilerParams(needs_layout_passes=False),
    )
    def gather_kernel(table_hbm, idx_hbm, out_hbm, idx_v, stage_v, rows_v, sem):
        wid = lax.axis_index("s") * _NC + lax.axis_index("c")
        base = wid * _BPW
        pltpu.sync_copy(idx_hbm.at[pl.ds(base, _BPW)], idx_v)

        def group(i, _):
            vec = idx_v[pl.ds(i * _G, _G)]
            tvec = vec >> 7
            lvec = vec & 127
            copies = []
            for j in range(_G):
                t128 = pl.multiple_of(tvec[j] * 128, 128)
                copies.append(
                    pltpu.async_copy(
                        table_hbm.at[:, :, pl.ds(t128, 128)],
                        stage_v.at[pl.ds(j * 4, 4)],
                        sem,
                    )
                )
            clo = lax.iota(jnp.int32, 16)
            klo, slo = clo >> 3, clo & 7
            for j in range(_G):
                copies[j].wait()
                lane = clo * 0 + lvec[j]
                g0 = plsc.load_gather(stage_v, [klo + j * 4, slo, lane])
                g1 = plsc.load_gather(stage_v, [klo + 2 + j * 4, slo, lane])
                samp = clo * 0 + (i * _G + j)
                plsc.store_scatter(rows_v, [klo, slo, samp], g0)
                plsc.store_scatter(rows_v, [klo + 2, slo, samp], g1)
            return ()

        lax.fori_loop(0, _NG, group, (), unroll=False)
        pltpu.sync_copy(rows_v, out_hbm.at[:, :, pl.ds(base, _BPW)])

    return gather_kernel


def _tc_matmul_body(w_ref, x_ref, b_ref, o_ref):
    o_ref[...] = (
        jax.lax.dot_general(
            w_ref[...],
            x_ref[...],
            (((1,), (1,)), ((), ())),
            preferred_element_type=jnp.float32,
        )
        + b_ref[...]
    )


def _tc_add_body(f_ref, g_ref, o_ref):
    o_ref[...] = f_ref[...] + g_ref[...]


def kernel(X, group_ids, beta_w, beta_b, u_table):
    gids = group_ids.astype(jnp.int32)
    table3 = u_table.T.reshape(4, 8, VOCAB)
    rand3 = _make_sc_gather()(table3, gids)
    rand_t = rand3.reshape(K_DIM, BATCH)
    b2d = beta_b.reshape(K_DIM, 1)
    fixed_t = pl.pallas_call(
        _tc_matmul_body,
        out_shape=jax.ShapeDtypeStruct((K_DIM, BATCH), jnp.float32),
    )(beta_w, X, b2d)
    logits_t = pl.pallas_call(
        _tc_add_body,
        out_shape=jax.ShapeDtypeStruct((K_DIM, BATCH), jnp.float32),
    )(fixed_t, rand_t)
    return logits_t.T

# --- scband reference (transcript-rebuilt; emitter-appended) ---
"""Pipeline reference for scband-categorical-hier-56195352101024 (READ-ONLY COPY).

The authoritative reference and input builder live on the scoring server;
editing this copy changes nothing except your own understanding.
"""

import jax, jax.numpy as jnp
import numpy as np

N_FIXED = 128
B_GRP = 1000
L_GRP = 50
T_GRP = 20
K_DIM = 32
BATCH = 16384
VOCAB = B_GRP * L_GRP * T_GRP  # 1,000,000


def setup_inputs(seed: int = 0) -> dict:
    key = jax.random.key(seed)
    k1, k2, k3, k4, k5 = jax.random.split(key, 5)
    X = jax.random.normal(k1, (BATCH, N_FIXED), dtype=jnp.float32)
    group_ids = jax.random.randint(k2, (BATCH,), 0, VOCAB, dtype=jnp.int64 if jax.config.jax_enable_x64 else jnp.int32)
    # beta: nn.Linear(n_fixed, K) -> weight [K, n_fixed], bias [K]
    beta_w = jax.random.normal(k3, (K_DIM, N_FIXED), dtype=jnp.float32) * (1.0 / np.sqrt(N_FIXED))
    beta_b = jax.random.normal(k4, (K_DIM,), dtype=jnp.float32) * 0.01
    # u: nn.Embedding(B*L*T, K)
    u_table = jax.random.normal(k5, (VOCAB, K_DIM), dtype=jnp.float32)
    return {"X": X, "group_ids": group_ids, "beta_w": beta_w, "beta_b": beta_b, "u_table": u_table}


def reference(X, group_ids, beta_w, beta_b, u_table):
    # fixed = self.beta(X)
    fixed = X @ beta_w.T + beta_b
    # random = self.u(group_ids)  (embedding gather)
    random = jnp.take(u_table, group_ids, axis=0)
    logits = fixed + random
    return logits

if __name__ == "__main__":
    import jax
    _d = setup_inputs()
    print(jax.jit(kernel)(*tuple(_d.values())))

</pallas_src>

<mosaic_0001>
#map = affine_map<(d0, d1) -> (0, 0, 0)>
#map1 = affine_map<(d0, d1) -> (0)>
module attributes {stable_mosaic.version = 14 : i64} {
  func.func @gather_kernel(%arg0: i32, %arg1: i32, %arg2: memref<4x8x1000000xf32, #tpu.memory_space<hbm>>, %arg3: memref<16384xi32, #tpu.memory_space<hbm>>, %arg4: memref<4x8x16384xf32, #tpu.memory_space<hbm>>, %arg5: memref<512xi32, #tpu.memory_space<vmem>>, %arg6: memref<64x8x128xf32, #tpu.memory_space<vmem>>, %arg7: memref<4x8x512xf32, #tpu.memory_space<vmem>>, %arg8: memref<!tpu.dma_semaphore, #tpu.memory_space<semaphore_mem>>) attributes {dimension_semantics = [#tpu.dimension_semantics<core_parallel>, #tpu.dimension_semantics<subcore_parallel>], iteration_bounds = array<i64: 2, 16>, scalar_prefetch = 0 : i64, scratch_operands = 4 : i64, tpu.core_type = #tpu.core_type<sc_vector_subcore>, window_params = [{transform_indices = #map}, {transform_indices = #map1}, {transform_indices = #map}]} {
    %mul3A = arith.constant 2 : i32
    %mul3A_0 = arith.muli %arg1, %mul3A : i32
    %add3A = arith.addi %mul3A_0, %arg0 : i32
    %mul3A_1 = arith.constant 512 : i32
    %mul3A_2 = arith.muli %add3A, %mul3A_1 : i32
    "tpu.region"() ({
      %run_scoped3A = tpu.sem_alloc : memref<!tpu.dma_semaphore, #tpu.memory_space<semaphore_mem>>
      %dma_start3A = tpu.memref_slice %arg3[%mul3A_2] : memref<16384xi32, #tpu.memory_space<hbm>> -> memref<512xi32, #tpu.memory_space<hbm>>
      %dma_start3A_7 = tpu.memref_slice %arg3[%mul3A_2] : memref<16384xi32, #tpu.memory_space<hbm>> -> memref<512xi32, #tpu.memory_space<hbm>>
      tpu.enqueue_dma source(%dma_start3A_7 : memref<512xi32, #tpu.memory_space<hbm>>) target(%arg5 : memref<512xi32, #tpu.memory_space<vmem>>) target_semaphore(%run_scoped3A : memref<!tpu.dma_semaphore, #tpu.memory_space<semaphore_mem>>)
      %dma_wait3A = tpu.memref_slice %arg3[%mul3A_2] : memref<16384xi32, #tpu.memory_space<hbm>> -> memref<512xi32, #tpu.memory_space<hbm>>
      %dma_wait3A_8 = tpu.memref_slice %arg3[%mul3A_2] : memref<16384xi32, #tpu.memory_space<hbm>> -> memref<512xi32, #tpu.memory_space<hbm>>
      tpu.wait_dma2 semaphore(%run_scoped3A : memref<!tpu.dma_semaphore, #tpu.memory_space<semaphore_mem>>) src(%dma_wait3A_8 : memref<512xi32, #tpu.memory_space<hbm>>) dst(%arg5 : memref<512xi32, #tpu.memory_space<vmem>>)
      tpu.yield
    }) : () -> ()
    %scan3A = arith.constant 0 : i32
    %scan3A_3 = arith.constant 32 : i32
    %scan3A_4 = arith.addi %scan3A, %scan3A_3 : i32
    %scan3A_5 = arith.constant 1 : i32
    scf.for %scan3A_7 = %scan3A to %scan3A_4 step %scan3A_5  : i32 {
      %mul3A_8 = arith.constant 16 : i32
      %mul3A_9 = arith.muli %scan3A_7, %mul3A_8 : i32
      %get3A = arith.index_cast %mul3A_9 : i32 to index
      %get3A_10 = tpu.vector_load %arg5[%get3A] {strides = array<i32>} : memref<512xi32, #tpu.memory_space<vmem>>, vector<16xi32>,
      %shift_right_arithmetic3A = arith.constant 7 : i32
      %shift_right_arithmetic3A_11 = vector.broadcast %shift_right_arithmetic3A : i32 to vector<16xi32>
      %shift_right_arithmetic3A_12 = arith.shrsi %get3A_10, %shift_right_arithmetic3A_11 : vector<16xi32>
      %and3A = arith.constant 127 : i32
      %and3A_13 = vector.broadcast %and3A : i32 to vector<16xi32>
      %and3A_14 = arith.andi %get3A_10, %and3A_13 : vector<16xi32>
      %slice3A = vector.extract_strided_slice %shift_right_arithmetic3A_12 {offsets = [0], sizes = [1], strides = [1]} : vector<16xi32> to vector<1xi32>
      %squeeze3A = vector.extract %slice3A[0] : i32 from vector<1xi32>
      %mul3A_15 = arith.constant 128 : i32
      %mul3A_16 = arith.muli %squeeze3A, %mul3A_15 : i32
      %multiple_of3A = tpu.assume_multiple %mul3A_16, 128 : i32
      %dma_start3A = arith.constant 0 : i32
      %dma_start3A_17 = arith.constant 0 : i32
      %dma_start3A_18 = arith.constant 0 : i32
      %dma_start3A_19 = tpu.memref_slice %arg6[%dma_start3A, %dma_start3A_17, %dma_start3A_18] : memref<64x8x128xf32, #tpu.memory_space<vmem>> -> memref<4x8x128xf32, #tpu.memory_space<vmem>>
      %dma_start3A_20 = arith.constant 0 : i32
      %dma_start3A_21 = arith.constant 0 : i32
      %dma_start3A_22 = tpu.memref_slice %arg2[%dma_start3A_20, %dma_start3A_21, %multiple_of3A] : memref<4x8x1000000xf32, #tpu.memory_space<hbm>> -> memref<4x8x128xf32, #tpu.memory_space<hbm>>
      %dma_start3A_23 = arith.constant 0 : i32
      %dma_start3A_24 = arith.constant 0 : i32
      %dma_start3A_25 = arith.constant 0 : i32
      %dma_start3A_26 = tpu.memref_slice %arg6[%dma_start3A_23, %dma_start3A_24, %dma_start3A_25] : memref<64x8x128xf32, #tpu.memory_space<vmem>> -> memref<4x8x128xf32, #tpu.memory_space<vmem>>
      %dma_start3A_27 = arith.constant 0 : i32
      %dma_start3A_28 = arith.constant 0 : i32
      %dma_start3A_29 = tpu.memref_slice %arg2[%dma_start3A_27, %dma_start3A_28, %multiple_of3A] : memref<4x8x1000000xf32, #tpu.memory_space<hbm>> -> memref<4x8x128xf32, #tpu.memory_space<hbm>>
      tpu.enqueue_dma source(%dma_start3A_29 : memref<4x8x128xf32, #tpu.memory_space<hbm>>) target(%dma_start3A_26 : memref<4x8x128xf32, #tpu.memory_space<vmem>>) target_semaphore(%arg8 : memref<!tpu.dma_semaphore, #tpu.memory_space<semaphore_mem>>)
      %slice3A_30 = vector.extract_strided_slice %shift_right_arithmetic3A_12 {offsets = [1], sizes = [1], strides = [1]} : vector<16xi32> to vector<1xi32>
      %squeeze3A_31 = vector.extract %slice3A_30[0] : i32 from vector<1xi32>
      %mul3A_32 = arith.constant 128 : i32
      %mul3A_33 = arith.muli %squeeze3A_31, %mul3A_32 : i32
      %multiple_of3A_34 = tpu.assume_multiple %mul3A_33, 128 : i32
      %dma_start3A_35 = arith.constant 4 : i32
      %dma_start3A_36 = arith.constant 0 : i32
      %dma_start3A_37 = arith.constant 0 : i32
      %dma_start3A_38 = tpu.memref_slice %arg6[%dma_start3A_35, %dma_start3A_36, %dma_start3A_37] : memref<64x8x128xf32, #tpu.memory_space<vmem>> -> memref<4x8x128xf32, #tpu.memory_space<vmem>>
      %dma_start3A_39 = arith.constant 0 : i32
      %dma_start3A_40 = arith.constant 0 : i32
      %dma_start3A_41 = tpu.memref_slice %arg2[%dma_start3A_39, %dma_start3A_40, %multiple_of3A_34] : memref<4x8x1000000xf32, #tpu.memory_space<hbm>> -> memref<4x8x128xf32, #tpu.memory_space<hbm>>
      %dma_start3A_42 = arith.constant 4 : i32
      %dma_start3A_43 = arith.constant 0 : i32
      %dma_start3A_44 = arith.constant 0 : i32
      %dma_start3A_45 = tpu.memref_slice %arg6[%dma_start3A_42, %dma_start3A_43, %dma_start3A_44] : memref<64x8x128xf32, #tpu.memory_space<vmem>> -> memref<4x8x128xf32, #tpu.memory_space<vmem>>
      %dma_start3A_46 = arith.constant 0 : i32
      %dma_start3A_47 = arith.constant 0 : i32
      %dma_start3A_48 = tpu.memref_slice %arg2[%dma_start3A_46, %dma_start3A_47, %multiple_of3A_34] : memref<4x8x1000000xf32, #tpu.memory_space<hbm>> -> memref<4x8x128xf32, #tpu.memory_space<hbm>>
      tpu.enqueue_dma source(%dma_start3A_48 : memref<4x8x128xf32, #tpu.memory_space<hbm>>) target(%dma_start3A_45 : memref<4x8x128xf32, #tpu.memory_space<vmem>>) target_semaphore(%arg8 : memref<!tpu.dma_semaphore, #tpu.memory_space<semaphore_mem>>)
      %slice3A_49 = vector.extract_strided_slice %shift_right_arithmetic3A_12 {offsets = [2], sizes = [1], strides = [1]} : vector<16xi32> to vector<1xi32>
      %squeeze3A_50 = vector.extract %slice3A_49[0] : i32 from vector<1xi32>
      %mul3A_51 = arith.constant 128 : i32
      %mul3A_52 = arith.muli %squeeze3A_50, %mul3A_51 : i32
      %multiple_of3A_53 = tpu.assume_multiple %mul3A_52, 128 : i32
      %dma_start3A_54 = arith.constant 8 : i32
      %dma_start3A_55 = arith.constant 0 : i32
      %dma_start3A_56 = arith.constant 0 : i32
      %dma_start3A_57 = tpu.memref_slice %arg6[%dma_start3A_54, %dma_start3A_55, %dma_start3A_56] : memref<64x8x128xf32, #tpu.memory_space<vmem>> -> memref<4x8x128xf32, #tpu.memory_space<vmem>>
      %dma_start3A_58 = arith.constant 0 : i32
      %dma_start3A_59 = arith.constant 0 : i32
      %dma_start3A_60 = tpu.memref_slice %arg2[%dma_start3A_58, %dma_start3A_59, %multiple_of3A_53] : memref<4x8x1000000xf32, #tpu.memory_space<hbm>> -> memref<4x8x128xf32, #tpu.memory_space<hbm>>
      %dma_start3A_61 = arith.constant 8 : i32
      %dma_start3A_62 = arith.constant 0 : i32
      %dma_start3A_63 = arith.constant 0 : i32
      %dma_start3A_64 = tpu.memref_slice %arg6[%dma_start3A_61, %dma_start3A_62, %dma_start3A_63] : memref<64x8x128xf32, #tpu.memory_space<vmem>> -> memref<4x8x128xf32, #tpu.memory_space<vmem>>
      %dma_start3A_65 = arith.constant 0 : i32
      %dma_start3A_66 = arith.constant 0 : i32
      %dma_start3A_67 = tpu.memref_slice %arg2[%dma_start3A_65, %dma_start3A_66, %multiple_of3A_53] : memref<4x8x1000000xf32, #tpu.memory_space<hbm>> -> memref<4x8x128xf32, #tpu.memory_space<hbm>>
      tpu.enqueue_dma source(%dma_start3A_67 : memref<4x8x128xf32, #tpu.memory_space<hbm>>) target(%dma_start3A_64 : memref<4x8x128xf32, #tpu.memory_space<vmem>>) target_semaphore(%arg8 : memref<!tpu.dma_semaphore, #tpu.memory_space<semaphore_mem>>)
      %slice3A_68 = vector.extract_strided_slice %shift_right_arithmetic3A_12 {offsets = [3], sizes = [1], strides = [1]} : vector<16xi32> to vector<1xi32>
      %squeeze3A_69 = vector.extract %slice3A_68[0] : i32 from vector<1xi32>
      %mul3A_70 = arith.constant 128 : i32
      %mul3A_71 = arith.muli %squeeze3A_69, %mul3A_70 : i32
      %multiple_of3A_72 = tpu.assume_multiple %mul3A_71, 128 : i32
      %dma_start3A_73 = arith.constant 12 : i32
      %dma_start3A_74 = arith.constant 0 : i32
      %dma_start3A_75 = arith.constant 0 : i32
      %dma_start3A_76 = tpu.memref_slice %arg6[%dma_start3A_73, %dma_start3A_74, %dma_start3A_75] : memref<64x8x128xf32, #tpu.memory_space<vmem>> -> memref<4x8x128xf32, #tpu.memory_space<vmem>>
      %dma_start3A_77 = arith.constant 0 : i32
      %dma_start3A_78 = arith.constant 0 : i32
      %dma_start3A_79 = tpu.memref_slice %arg2[%dma_start3A_77, %dma_start3A_78, %multiple_of3A_72] : memref<4x8x1000000xf32, #tpu.memory_space<hbm>> -> memref<4x8x128xf32, #tpu.memory_space<hbm>>
      %dma_start3A_80 = arith.constant 12 : i32
      %dma_start3A_81 = arith.constant 0 : i32
      %dma_start3A_82 = arith.constant 0 : i32
      %dma_start3A_83 = tpu.memref_slice %arg6[%dma_start3A_80, %dma_start3A_81, %dma_start3A_82] : memref<64x8x128xf32, #tpu.memory_space<vmem>> -> memref<4x8x128xf32, #tpu.memory_space<vmem>>
      %dma_start3A_84 = arith.constant 0 : i32
      %dma_start3A_85 = arith.constant 0 : i32
      %dma_start3A_86 = tpu.memref_slice %arg2[%dma_start3A_84, %dma_start3A_85, %multiple_of3A_72] : memref<4x8x1000000xf32, #tpu.memory_space<hbm>> -> memref<4x8x128xf32, #tpu.memory_space<hbm>>
      tpu.enqueue_dma source(%dma_start3A_86 : memref<4x8x128xf32, #tpu.memory_space<hbm>>) target(%dma_start3A_83 : memref<4x8x128xf32, #tpu.memory_space<vmem>>) target_semaphore(%arg8 : memref<!tpu.dma_semaphore, #tpu.memory_space<semaphore_mem>>)
      %slice3A_87 = vector.extract_strided_slice %shift_right_arithmetic3A_12 {offsets = [4], sizes = [1], strides = [1]} : vector<16xi32> to vector<1xi32>
      %squeeze3A_88 = vector.extract %slice3A_87[0] : i32 from vector<1xi32>
      %mul3A_89 = arith.constant 128 : i32
      %mul3A_90 = arith.muli %squeeze3A_88, %mul3A_89 : i32
      %multiple_of3A_91 = tpu.assume_multiple %mul3A_90, 128 : i32
      %dma_start3A_92 = arith.constant 16 : i32
      %dma_start3A_93 = arith.constant 0 : i32
      %dma_start3A_94 = arith.constant 0 : i32
      %dma_start3A_95 = tpu.memref_slice %arg6[%dma_start3A_92, %dma_start3A_93, %dma_start3A_94] : memref<64x8x128xf32, #tpu.memory_space<vmem>> -> memref<4x8x128xf32, #tpu.memory_space<vmem>>
      %dma_start3A_96 = arith.constant 0 : i32
      %dma_start3A_97 = arith.constant 0 : i32
      %dma_start3A_98 = tpu.memref_slice %arg2[%dma_start3A_96, %dma_start3A_97, %multiple_of3A_91] : memref<4x8x1000000xf32, #tpu.memory_space<hbm>> -> memref<4x8x128xf32, #tpu.memory_space<hbm>>
      %dma_start3A_99 = arith.constant 16 : i32
      %dma_start3A_100 = arith.constant 0 : i32
      %dma_start3A_101 = arith.constant 0 : i32
      %dma_start3A_102 = tpu.memref_slice %arg6[%dma_start3A_99, %dma_start3A_100, %dma_start3A_101] : memref<64x8x128xf32, #tpu.memory_space<vmem>> -> memref<4x8x128xf32, #tpu.memory_space<vmem>>
      %dma_start3A_103 = arith.constant 0 : i32
      %dma_start3A_104 = arith.constant 0 : i32
      %dma_start3A_105 = tpu.memref_slice %arg2[%dma_start3A_103, %dma_start3A_104, %multiple_of3A_91] : memref<4x8x1000000xf32, #tpu.memory_space<hbm>> -> memref<4x8x128xf32, #tpu.memory_space<hbm>>
      tpu.enqueue_dma source(%dma_start3A_105 : memref<4x8x128xf32, #tpu.memory_space<hbm>>) target(%dma_start3A_102 : memref<4x8x128xf32, #tpu.memory_space<vmem>>) target_semaphore(%arg8 : memref<!tpu.dma_semaphore, #tpu.memory_space<semaphore_mem>>)
      %slice3A_106 = vector.extract_strided_slice %shift_right_arithmetic3A_12 {offsets = [5], sizes = [1], strides = [1]} : vector<16xi32> to vector<1xi32>
      %squeeze3A_107 = vector.extract %slice3A_106[0] : i32 from vector<1xi32>
      %mul3A_108 = arith.constant 128 : i32
      %mul3A_109 = arith.muli %squeeze3A_107, %mul3A_108 : i32
      %multiple_of3A_110 = tpu.assume_multiple %mul3A_109, 128 : i32
      %dma_start3A_111 = arith.constant 20 : i32
      %dma_start3A_112 = arith.constant 0 : i32
      %dma_start3A_113 = arith.constant 0 : i32
      %dma_start3A_114 = tpu.memref_slice %arg6[%dma_start3A_111, %dma_start3A_112, %dma_start3A_113] : memref<64x8x128xf32, #tpu.memory_space<vmem>> -> memref<4x8x128xf32, #tpu.memory_space<vmem>>
      %dma_start3A_115 = arith.constant 0 : i32
      %dma_start3A_116 = arith.constant 0 : i32
      %dma_start3A_117 = tpu.memref_slice %arg2[%dma_start3A_115, %dma_start3A_116, %multiple_of3A_110] : memref<4x8x1000000xf32, #tpu.memory_space<hbm>> -> memref<4x8x128xf32, #tpu.memory_space<hbm>>
      %dma_start3A_118 = arith.constant 20 : i32
      %dma_start3A_119 = arith.constant 0 : i32
      %dma_start3A_120 = arith.constant 0 : i32
      %dma_start3A_121 = tpu.memref_slice %arg6[%dma_start3A_118, %dma_start3A_119, %dma_start3A_120] : memref<64x8x128xf32, #tpu.memory_space<vmem>> -> memref<4x8x128xf32, #tpu.memory_space<vmem>>
      %dma_start3A_122 = arith.constant 0 : i32
      %dma_start3A_123 = arith.constant 0 : i32
      %dma_start3A_124 = tpu.memref_slice %arg2[%dma_start3A_122, %dma_start3A_123, %multiple_of3A_110] : memref<4x8x1000000xf32, #tpu.memory_space<hbm>> -> memref<4x8x128xf32, #tpu.memory_space<hbm>>
      tpu.enqueue_dma source(%dma_start3A_124 : memref<4x8x128xf32, #tpu.memory_space<hbm>>) target(%dma_start3A_121 : memref<4x8x128xf32, #tpu.memory_space<vmem>>) target_semaphore(%arg8 : memref<!tpu.dma_semaphore, #tpu.memory_space<semaphore_mem>>)
      %slice3A_125 = vector.extract_strided_slice %shift_right_arithmetic3A_12 {offsets = [6], sizes = [1], strides = [1]} : vector<16xi32> to vector<1xi32>
      %squeeze3A_126 = vector.extract %slice3A_125[0] : i32 from vector<1xi32>
      %mul3A_127 = arith.constant 128 : i32
      %mul3A_128 = arith.muli %squeeze3A_126, %mul3A_127 : i32
      %multiple_of3A_129 = tpu.assume_multiple %mul3A_128, 128 : i32
      %dma_start3A_130 = arith.constant 24 : i32
      %dma_start3A_131 = arith.constant 0 : i32
      %dma_start3A_132 = arith.constant 0 : i32
      %dma_start3A_133 = tpu.memref_slice %arg6[%dma_start3A_130, %dma_start3A_131, %dma_start3A_132] : memref<64x8x128xf32, #tpu.memory_space<vmem>> -> memref<4x8x128xf32, #tpu.memory_space<vmem>>
      %dma_start3A_134 = arith.constant 0 : i32
      %dma_start3A_135 = arith.constant 0 : i32
      %dma_start3A_136 = tpu.memref_slice %arg2[%dma_start3A_134, %dma_start3A_135, %multiple_of3A_129] : memref<4x8x1000000xf32, #tpu.memory_space<hbm>> -> memref<4x8x128xf32, #tpu.memory_space<hbm>>
      %dma_start3A_137 = arith.constant 24 : i32
      %dma_start3A_138 = arith.constant 0 : i32
      %dma_start3A_139 = arith.constant 0 : i32
      %dma_start3A_140 = tpu.memref_slice %arg6[%dma_start3A_137, %dma_start3A_138, %dma_start3A_139] : memref<64x8x128xf32, #tpu.memory_space<vmem>> -> memref<4x8x128xf32, #tpu.memory_space<vmem>>
      %dma_start3A_141 = arith.constant 0 : i32
      %dma_start3A_142 = arith.constant 0 : i32
      %dma_start3A_143 = tpu.memref_slice %arg2[%dma_start3A_141, %dma_start3A_142, %multiple_of3A_129] : memref<4x8x1000000xf32, #tpu.memory_space<hbm>> -> memref<4x8x128xf32, #tpu.memory_space<hbm>>
      tpu.enqueue_dma source(%dma_start3A_143 : memref<4x8x128xf32, #tpu.memory_space<hbm>>) target(%dma_start3A_140 : memref<4x8x128xf32, #tpu.memory_space<vmem>>) target_semaphore(%arg8 : memref<!tpu.dma_semaphore, #tpu.memory_space<semaphore_mem>>)
      %slice3A_144 = vector.extract_strided_slice %shift_right_arithmetic3A_12 {offsets = [7], sizes = [1], strides = [1]} : vector<16xi32> to vector<1xi32>
      %squeeze3A_145 = vector.extract %slice3A_144[0] : i32 from vector<1xi32>
      %mul3A_146 = arith.constant 128 : i32
      %mul3A_147 = arith.muli %squeeze3A_145, %mul3A_146 : i32
      %multiple_of3A_148 = tpu.assume_multiple %mul3A_147, 128 : i32
      %dma_start3A_149 = arith.constant 28 : i32
      %dma_start3A_150 = arith.constant 0 : i32
      %dma_start3A_151 = arith.constant 0 : i32
      %dma_start3A_152 = tpu.memref_slice %arg6[%dma_start3A_149, %dma_start3A_150, %dma_start3A_151] : memref<64x8x128xf32, #tpu.memory_space<vmem>> -> memref<4x8x128xf32, #tpu.memory_space<vmem>>
      %dma_start3A_153 = arith.constant 0 : i32
      %dma_start3A_154 = arith.constant 0 : i32
      %dma_start3A_155 = tpu.memref_slice %arg2[%dma_start3A_153, %dma_start3A_154, %multiple_of3A_148] : memref<4x8x1000000xf32, #tpu.memory_space<hbm>> -> memref<4x8x128xf32, #tpu.memory_space<hbm>>
      %dma_start3A_156 = arith.constant 28 : i32
      %dma_start3A_157 = arith.constant 0 : i32
      %dma_start3A_158 = arith.constant 0 : i32
      %dma_start3A_159 = tpu.memref_slice %arg6[%dma_start3A_156, %dma_start3A_157, %dma_start3A_158] : memref<64x8x128xf32, #tpu.memory_space<vmem>> -> memref<4x8x128xf32, #tpu.memory_space<vmem>>
      %dma_start3A_160 = arith.constant 0 : i32
      %dma_start3A_161 = arith.constant 0 : i32
      %dma_start3A_162 = tpu.memref_slice %arg2[%dma_start3A_160, %dma_start3A_161, %multiple_of3A_148] : memref<4x8x1000000xf32, #tpu.memory_space<hbm>> -> memref<4x8x128xf32, #tpu.memory_space<hbm>>
      tpu.enqueue_dma source(%dma_start3A_162 : memref<4x8x128xf32, #tpu.memory_space<hbm>>) target(%dma_start3A_159 : memref<4x8x128xf32, #tpu.memory_space<vmem>>) target_semaphore(%arg8 : memref<!tpu.dma_semaphore, #tpu.memory_space<semaphore_mem>>)
      %slice3A_163 = vector.extract_strided_slice %shift_right_arithmetic3A_12 {offsets = [8], sizes = [1], strides = [1]} : vector<16xi32> to vector<1xi32>
      %squeeze3A_164 = vector.extract %slice3A_163[0] : i32 from vector<1xi32>
      %mul3A_165 = arith.constant 128 : i32
      %mul3A_166 = arith.muli %squeeze3A_164, %mul3A_165 : i32
      %multiple_of3A_167 = tpu.assume_multiple %mul3A_166, 128 : i32
      %dma_start3A_168 = arith.constant 32 : i32
      %dma_start3A_169 = arith.constant 0 : i32
      %dma_start3A_170 = arith.constant 0 : i32
      %dma_start3A_171 = tpu.memref_slice %arg6[%dma_start3A_168, %dma_start3A_169, %dma_start3A_170] : memref<64x8x128xf32, #tpu.memory_space<vmem>> -> memref<4x8x128xf32, #tpu.memory_space<vmem>>
      %dma_start3A_172 = arith.constant 0 : i32
      %dma_start3A_173 = arith.constant 0 : i32
      %dma_start3A_174 = tpu.memref_slice %arg2[%dma_start3A_172, %dma_start3A_173, %multiple_of3A_167] : memref<4x8x1000000xf32, #tpu.memory_space<hbm>> -> memref<4x8x128xf32, #tpu.memory_space<hbm>>
      %dma_start3A_175 = arith.constant 32 : i32
      %dma_start3A_176 = arith.constant 0 : i32
      %dma_start3A_177 = arith.constant 0 : i32
      %dma_start3A_178 = tpu.memref_slice %arg6[%dma_start3A_175, %dma_start3A_176, %dma_start3A_177] : memref<64x8x128xf32, #tpu.memory_space<vmem>> -> memref<4x8x128xf32, #tpu.memory_space<vmem>>
      %dma_start3A_179 = arith.constant 0 : i32
      %dma_start3A_180 = arith.constant 0 : i32
      %dma_start3A_181 = tpu.memref_slice %arg2[%dma_start3A_179, %dma_start3A_180, %multiple_of3A_167] : memref<4x8x1000000xf32, #tpu.memory_space<hbm>> -> memref<4x8x128xf32, #tpu.memory_space<hbm>>
      tpu.enqueue_dma source(%dma_start3A_181 : memref<4x8x128xf32, #tpu.memory_space<hbm>>) target(%dma_start3A_178 : memref<4x8x128xf32, #tpu.memory_space<vmem>>) target_semaphore(%arg8 : memref<!tpu.dma_semaphore, #tpu.memory_space<semaphore_mem>>)
      %slice3A_182 = vector.extract_strided_slice %shift_right_arithmetic3A_12 {offsets = [9], sizes = [1], strides = [1]} : vector<16xi32> to vector<1xi32>
      %squeeze3A_183 = vector.extract %slice3A_182[0] : i32 from vector<1xi32>
      %mul3A_184 = arith.constant 128 : i32
      %mul3A_185 = arith.muli %squeeze3A_183, %mul3A_184 : i32
      %multiple_of3A_186 = tpu.assume_multiple %mul3A_185, 128 : i32
      %dma_start3A_187 = arith.constant 36 : i32
      %dma_start3A_188 = arith.constant 0 : i32
      %dma_start3A_189 = arith.constant 0 : i32
      %dma_start3A_190 = tpu.memref_slice %arg6[%dma_start3A_187, %dma_start3A_188, %dma_start3A_189] : memref<64x8x128xf32, #tpu.memory_space<vmem>> -> memref<4x8x128xf32, #tpu.memory_space<vmem>>
      %dma_start3A_191 = arith.constant 0 : i32
      %dma_start3A_192 = arith.constant 0 : i32
      %dma_start3A_193 = tpu.memref_slice %arg2[%dma_start3A_191, %dma_start3A_192, %multiple_of3A_186] : memref<4x8x1000000xf32, #tpu.memory_space<hbm>> -> memref<4x8x128xf32, #tpu.memory_space<hbm>>
      %dma_start3A_194 = arith.constant 36 : i32
      %dma_start3A_195 = arith.constant 0 : i32
      %dma_start3A_196 = arith.constant 0 : i32
      %dma_start3A_197 = tpu.memref_slice %arg6[%dma_start3A_194, %dma_start3A_195, %dma_start3A_196] : memref<64x8x128xf32, #tpu.memory_space<vmem>> -> memref<4x8x128xf32, #tpu.memory_space<vmem>>
      %dma_start3A_198 = arith.constant 0 : i32
      %dma_start3A_199 = arith.constant 0 : i32
      %dma_start3A_200 = tpu.memref_slice %arg2[%dma_start3A_198, %dma_start3A_199, %multiple_of3A_186] : memref<4x8x1000000xf32, #tpu.memory_space<hbm>> -> memref<4x8x128xf32, #tpu.memory_space<hbm>>
      tpu.enqueue_dma source(%dma_start3A_200 : memref<4x8x128xf32, #tpu.memory_space<hbm>>) target(%dma_start3A_197 : memref<4x8x128xf32, #tpu.memory_space<vmem>>) target_semaphore(%arg8 : memref<!tpu.dma_semaphore, #tpu.memory_space<semaphore_mem>>)
      %slice3A_201 = vector.extract_strided_slice %shift_right_arithmetic3A_12 {offsets = [10], sizes = [1], strides = [1]} : vector<16xi32> to vector<1xi32>
      %squeeze3A_202 = vector.extract %slice3A_201[0] : i32 from vector<1xi32>
      %mul3A_203 = arith.constant 128 : i32
      %mul3A_204 = arith.muli %squeeze3A_202, %mul3A_203 : i32
      %multiple_of3A_205 = tpu.assume_multiple %mul3A_204, 128 : i32
      %dma_start3A_206 = arith.constant 40 : i32
      %dma_start3A_207 = arith.constant 0 : i32
      %dma_start3A_208 = arith.constant 0 : i32
      %dma_start3A_209 = tpu.memref_slice %arg6[%dma_start3A_206, %dma_start3A_207, %dma_start3A_208] : memref<64x8x128xf32, #tpu.memory_space<vmem>> -> memref<4x8x128xf32, #tpu.memory_space<vmem>>
      %dma_start3A_210 = arith.constant 0 : i32
      %dma_start3A_211 = arith.constant 0 : i32
      %dma_start3A_212 = tpu.memref_slice %arg2[%dma_start3A_210, %dma_start3A_211, %multiple_of3A_205] : memref<4x8x1000000xf32, #tpu.memory_space<hbm>> -> memref<4x8x128xf32, #tpu.memory_space<hbm>>
      %dma_start3A_213 = arith.constant 40 : i32
      %dma_start3A_214 = arith.constant 0 : i32
      %dma_start3A_215 = arith.constant 0 : i32
      %dma_start3A_216 = tpu.memref_slice %arg6[%dma_start3A_213, %dma_start3A_214, %dma_start3A_215] : memref<64x8x128xf32, #tpu.memory_space<vmem>> -> memref<4x8x128xf32, #tpu.memory_space<vmem>>
      %dma_start3A_217 = arith.constant 0 : i32
      %dma_start3A_218 = arith.constant 0 : i32
      %dma_start3A_219 = tpu.memref_slice %arg2[%dma_start3A_217, %dma_start3A_218, %multiple_of3A_205] : memref<4x8x1000000xf32, #tpu.memory_space<hbm>> -> memref<4x8x128xf32, #tpu.memory_space<hbm>>
      tpu.enqueue_dma source(%dma_start3A_219 : memref<4x8x128xf32, #tpu.memory_space<hbm>>) target(%dma_start3A_216 : memref<4x8x128xf32, #tpu.memory_space<vmem>>) target_semaphore(%arg8 : memref<!tpu.dma_semaphore, #tpu.memory_space<semaphore_mem>>)
      %slice3A_220 = vector.extract_strided_slice %shift_right_arithmetic3A_12 {offsets = [11], sizes = [1], strides = [1]} : vector<16xi32> to vector<1xi32>
      %squeeze3A_221 = vector.extract %slice3A_220[0] : i32 from vector<1xi32>
      %mul3A_222 = arith.constant 128 : i32
      %mul3A_223 = arith.muli %squeeze3A_221, %mul3A_222 : i32
      %multiple_of3A_224 = tpu.assume_multiple %mul3A_223, 128 : i32
      %dma_start3A_225 = arith.constant 44 : i32
      %dma_start3A_226 = arith.constant 0 : i32
      %dma_start3A_227 = arith.constant 0 : i32
      %dma_start3A_228 = tpu.memref_slice %arg6[%dma_start3A_225, %dma_start3A_226, %dma_start3A_227] : memref<64x8x128xf32, #tpu.memory_space<vmem>> -> memref<4x8x128xf32, #tpu.memory_space<vmem>>
      %dma_start3A_229 = arith.constant 0 : i32
      %dma_start3A_230 = arith.constant 0 : i32
      %dma_start3A_231 = tpu.memref_slice %arg2[%dma_start3A_229, %dma_start3A_230, %multiple_of3A_224] : memref<4x8x1000000xf32, #tpu.memory_space<hbm>> -> memref<4x8x128xf32, #tpu.memory_space<hbm>>
      %dma_start3A_232 = arith.constant 44 : i32
      %dma_start3A_233 = arith.constant 0 : i32
      %dma_start3A_234 = arith.constant 0 : i32
      %dma_start3A_235 = tpu.memref_slice %arg6[%dma_start3A_232, %dma_start3A_233, %dma_start3A_234] : memref<64x8x128xf32, #tpu.memory_space<vmem>> -> memref<4x8x128xf32, #tpu.memory_space<vmem>>
      %dma_start3A_236 = arith.constant 0 : i32
      %dma_start3A_237 = arith.constant 0 : i32
      %dma_start3A_238 = tpu.memref_slice %arg2[%dma_start3A_236, %dma_start3A_237, %multiple_of3A_224] : memref<4x8x1000000xf32, #tpu.memory_space<hbm>> -> memref<4x8x128xf32, #tpu.memory_space<hbm>>
      tpu.enqueue_dma source(%dma_start3A_238 : memref<4x8x128xf32, #tpu.memory_space<hbm>>) target(%dma_start3A_235 : memref<4x8x128xf32, #tpu.memory_space<vmem>>) target_semaphore(%arg8 : memref<!tpu.dma_semaphore, #tpu.memory_space<semaphore_mem>>)
      %slice3A_239 = vector.extract_strided_slice %shift_right_arithmetic3A_12 {offsets = [12], sizes = [1], strides = [1]} : vector<16xi32> to vector<1xi32>
      %squeeze3A_240 = vector.extract %slice3A_239[0] : i32 from vector<1xi32>
      %mul3A_241 = arith.constant 128 : i32
      %mul3A_242 = arith.muli %squeeze3A_240, %mul3A_241 : i32
      %multiple_of3A_243 = tpu.assume_multiple %mul3A_242, 128 : i32
      %dma_start3A_244 = arith.constant 48 : i32
      %dma_start3A_245 = arith.constant 0 : i32
      %dma_start3A_246 = arith.constant 0 : i32
      %dma_start3A_247 = tpu.memref_slice %arg6[%dma_start3A_244, %dma_start3A_245, %dma_start3A_246] : memref<64x8x128xf32, #tpu.memory_space<vmem>> -> memref<4x8x128xf32, #tpu.memory_space<vmem>>
      %dma_start3A_248 = arith.constant 0 : i32
      %dma_start3A_249 = arith.constant 0 : i32
      %dma_start3A_250 = tpu.memref_slice %arg2[%dma_start3A_248, %dma_start3A_249, %multiple_of3A_243] : memref<4x8x1000000xf32, #tpu.memory_space<hbm>> -> memref<4x8x128xf32, #tpu.memory_space<hbm>>
      %dma_start3A_251 = arith.constant 48 : i32
      %dma_start3A_252 = arith.constant 0 : i32
      %dma_start3A_253 = arith.constant 0 : i32
      %dma_start3A_254 = tpu.memref_slice %arg6[%dma_start3A_251, %dma_start3A_252, %dma_start3A_253] : memref<64x8x128xf32, #tpu.memory_space<vmem>> -> memref<4x8x128xf32, #tpu.memory_space<vmem>>
      %dma_start3A_255 = arith.constant 0 : i32
      %dma_start3A_256 = arith.constant 0 : i32
      %dma_start3A_257 = tpu.memref_slice %arg2[%dma_start3A_255, %dma_start3A_256, %multiple_of3A_243] : memref<4x8x1000000xf32, #tpu.memory_space<hbm>> -> memref<4x8x128xf32, #tpu.memory_space<hbm>>
      tpu.enqueue_dma source(%dma_start3A_257 : memref<4x8x128xf32, #tpu.memory_space<hbm>>) target(%dma_start3A_254 : memref<4x8x128xf32, #tpu.memory_space<vmem>>) target_semaphore(%arg8 : memref<!tpu.dma_semaphore, #tpu.memory_space<semaphore_mem>>)
      %slice3A_258 = vector.extract_strided_slice %shift_right_arithmetic3A_12 {offsets = [13], sizes = [1], strides = [1]} : vector<16xi32> to vector<1xi32>
      %squeeze3A_259 = vector.extract %slice3A_258[0] : i32 from vector<1xi32>
      %mul3A_260 = arith.constant 128 : i32
      %mul3A_261 = arith.muli %squeeze3A_259, %mul3A_260 : i32
      %multiple_of3A_262 = tpu.assume_multiple %mul3A_261, 128 : i32
      %dma_start3A_263 = arith.constant 52 : i32
      %dma_start3A_264 = arith.constant 0 : i32
      %dma_start3A_265 = arith.constant 0 : i32
      %dma_start3A_266 = tpu.memref_slice %arg6[%dma_start3A_263, %dma_start3A_264, %dma_start3A_265] : memref<64x8x128xf32, #tpu.memory_space<vmem>> -> memref<4x8x128xf32, #tpu.memory_space<vmem>>
      %dma_start3A_267 = arith.constant 0 : i32
      %dma_start3A_268 = arith.constant 0 : i32
      %dma_start3A_269 = tpu.memref_slice %arg2[%dma_start3A_267, %dma_start3A_268, %multiple_of3A_262] : memref<4x8x1000000xf32, #tpu.memory_space<hbm>> -> memref<4x8x128xf32, #tpu.memory_space<hbm>>
      %dma_start3A_270 = arith.constant 52 : i32
      %dma_start3A_271 = arith.constant 0 : i32
      %dma_start3A_272 = arith.constant 0 : i32
      %dma_start3A_273 = tpu.memref_slice %arg6[%dma_start3A_270, %dma_start3A_271, %dma_start3A_272] : memref<64x8x128xf32, #tpu.memory_space<vmem>> -> memref<4x8x128xf32, #tpu.memory_space<vmem>>
      %dma_start3A_274 = arith.constant 0 : i32
      %dma_start3A_275 = arith.constant 0 : i32
      %dma_start3A_276 = tpu.memref_slice %arg2[%dma_start3A_274, %dma_start3A_275, %multiple_of3A_262] : memref<4x8x1000000xf32, #tpu.memory_space<hbm>> -> memref<4x8x128xf32, #tpu.memory_space<hbm>>
      tpu.enqueue_dma source(%dma_start3A_276 : memref<4x8x128xf32, #tpu.memory_space<hbm>>) target(%dma_start3A_273 : memref<4x8x128xf32, #tpu.memory_space<vmem>>) target_semaphore(%arg8 : memref<!tpu.dma_semaphore, #tpu.memory_space<semaphore_mem>>)
      %slice3A_277 = vector.extract_strided_slice %shift_right_arithmetic3A_12 {offsets = [14], sizes = [1], strides = [1]} : vector<16xi32> to vector<1xi32>
      %squeeze3A_278 = vector.extract %slice3A_277[0] : i32 from vector<1xi32>
      %mul3A_279 = arith.constant 128 : i32
      %mul3A_280 = arith.muli %squeeze3A_278, %mul3A_279 : i32
      %multiple_of3A_281 = tpu.assume_multiple %mul3A_280, 128 : i32
      %dma_start3A_282 = arith.constant 56 : i32
      %dma_start3A_283 = arith.constant 0 : i32
      %dma_start3A_284 = arith.constant 0 : i32
      %dma_start3A_285 = tpu.memref_slice %arg6[%dma_start3A_282, %dma_start3A_283, %dma_start3A_284] : memref<64x8x128xf32, #tpu.memory_space<vmem>> -> memref<4x8x128xf32, #tpu.memory_space<vmem>>
      %dma_start3A_286 = arith.constant 0 : i32
      %dma_start3A_287 = arith.constant 0 : i32
      %dma_start3A_288 = tpu.memref_slice %arg2[%dma_start3A_286, %dma_start3A_287, %multiple_of3A_281] : memref<4x8x1000000xf32, #tpu.memory_space<hbm>> -> memref<4x8x128xf32, #tpu.memory_space<hbm>>
      %dma_start3A_289 = arith.constant 56 : i32
      %dma_start3A_290 = arith.constant 0 : i32
      %dma_start3A_291 = arith.constant 0 : i32
      %dma_start3A_292 = tpu.memref_slice %arg6[%dma_start3A_289, %dma_start3A_290, %dma_start3A_291] : memref<64x8x128xf32, #tpu.memory_space<vmem>> -> memref<4x8x128xf32, #tpu.memory_space<vmem>>
      %dma_start3A_293 = arith.constant 0 : i32
      %dma_start3A_294 = arith.constant 0 : i32
      %dma_start3A_295 = tpu.memref_slice %arg2[%dma_start3A_293, %dma_start3A_294, %multiple_of3A_281] : memref<4x8x1000000xf32, #tpu.memory_space<hbm>> -> memref<4x8x128xf32, #tpu.memory_space<hbm>>
      tpu.enqueue_dma source(%dma_start3A_295 : memref<4x8x128xf32, #tpu.memory_space<hbm>>) target(%dma_start3A_292 : memref<4x8x128xf32, #tpu.memory_space<vmem>>) target_semaphore(%arg8 : memref<!tpu.dma_semaphore, #tpu.memory_space<semaphore_mem>>)
      %slice3A_296 = vector.extract_strided_slice %shift_right_arithmetic3A_12 {offsets = [15], sizes = [1], strides = [1]} : vector<16xi32> to vector<1xi32>
      %squeeze3A_297 = vector.extract %slice3A_296[0] : i32 from vector<1xi32>
      %mul3A_298 = arith.constant 128 : i32
      %mul3A_299 = arith.muli %squeeze3A_297, %mul3A_298 : i32
      %multiple_of3A_300 = tpu.assume_multiple %mul3A_299, 128 : i32
      %dma_start3A_301 = arith.constant 60 : i32
      %dma_start3A_302 = arith.constant 0 : i32
      %dma_start3A_303 = arith.constant 0 : i32
      %dma_start3A_304 = tpu.memref_slice %arg6[%dma_start3A_301, %dma_start3A_302, %dma_start3A_303] : memref<64x8x128xf32, #tpu.memory_space<vmem>> -> memref<4x8x128xf32, #tpu.memory_space<vmem>>
      %dma_start3A_305 = arith.constant 0 : i32
      %dma_start3A_306 = arith.constant 0 : i32
      %dma_start3A_307 = tpu.memref_slice %arg2[%dma_start3A_305, %dma_start3A_306, %multiple_of3A_300] : memref<4x8x1000000xf32, #tpu.memory_space<hbm>> -> memref<4x8x128xf32, #tpu.memory_space<hbm>>
      %dma_start3A_308 = arith.constant 60 : i32
      %dma_start3A_309 = arith.constant 0 : i32
      %dma_start3A_310 = arith.constant 0 : i32
      %dma_start3A_311 = tpu.memref_slice %arg6[%dma_start3A_308, %dma_start3A_309, %dma_start3A_310] : memref<64x8x128xf32, #tpu.memory_space<vmem>> -> memref<4x8x128xf32, #tpu.memory_space<vmem>>
      %dma_start3A_312 = arith.constant 0 : i32
      %dma_start3A_313 = arith.constant 0 : i32
      %dma_start3A_314 = tpu.memref_slice %arg2[%dma_start3A_312, %dma_start3A_313, %multiple_of3A_300] : memref<4x8x1000000xf32, #tpu.memory_space<hbm>> -> memref<4x8x128xf32, #tpu.memory_space<hbm>>
      tpu.enqueue_dma source(%dma_start3A_314 : memref<4x8x128xf32, #tpu.memory_space<hbm>>) target(%dma_start3A_311 : memref<4x8x128xf32, #tpu.memory_space<vmem>>) target_semaphore(%arg8 : memref<!tpu.dma_semaphore, #tpu.memory_space<semaphore_mem>>)
      %iota3A = tpu.iota {dimensions = array<i32: 0>} : vector<16xi32>
      %shift_right_arithmetic3A_315 = arith.constant 3 : i32
      %shift_right_arithmetic3A_316 = vector.broadcast %shift_right_arithmetic3A_315 : i32 to vector<16xi32>
      %shift_right_arithmetic3A_317 = arith.shrsi %iota3A, %shift_right_arithmetic3A_316 : vector<16xi32>
      %and3A_318 = arith.constant 7 : i32
      %and3A_319 = vector.broadcast %and3A_318 : i32 to vector<16xi32>
      %and3A_320 = arith.andi %iota3A, %and3A_319 : vector<16xi32>
      %dma_wait3A = arith.constant 0 : i32
      %dma_wait3A_321 = arith.constant 0 : i32
      %dma_wait3A_322 = arith.constant 0 : i32
      %dma_wait3A_323 = tpu.memref_slice %arg6[%dma_wait3A, %dma_wait3A_321, %dma_wait3A_322] : memref<64x8x128xf32, #tpu.memory_space<vmem>> -> memref<4x8x128xf32, #tpu.memory_space<vmem>>
      %dma_wait3A_324 = arith.constant 0 : i32
      %dma_wait3A_325 = arith.constant 0 : i32
      %dma_wait3A_326 = tpu.memref_slice %arg2[%dma_wait3A_324, %dma_wait3A_325, %multiple_of3A] : memref<4x8x1000000xf32, #tpu.memory_space<hbm>> -> memref<4x8x128xf32, #tpu.memory_space<hbm>>
      %dma_wait3A_327 = arith.constant 0 : i32
      %dma_wait3A_328 = arith.constant 0 : i32
      %dma_wait3A_329 = arith.constant 0 : i32
      %dma_wait3A_330 = tpu.memref_slice %arg6[%dma_wait3A_327, %dma_wait3A_328, %dma_wait3A_329] : memref<64x8x128xf32, #tpu.memory_space<vmem>> -> memref<4x8x128xf32, #tpu.memory_space<vmem>>
      %dma_wait3A_331 = arith.constant 0 : i32
      %dma_wait3A_332 = arith.constant 0 : i32
      %dma_wait3A_333 = tpu.memref_slice %arg2[%dma_wait3A_331, %dma_wait3A_332, %multiple_of3A] : memref<4x8x1000000xf32, #tpu.memory_space<hbm>> -> memref<4x8x128xf32, #tpu.memory_space<hbm>>
      tpu.wait_dma2 semaphore(%arg8 : memref<!tpu.dma_semaphore, #tpu.memory_space<semaphore_mem>>) src(%dma_wait3A_333 : memref<4x8x128xf32, #tpu.memory_space<hbm>>) dst(%dma_wait3A_330 : memref<4x8x128xf32, #tpu.memory_space<vmem>>)
      %mul3A_334 = arith.constant 0 : i32
      %mul3A_335 = vector.broadcast %mul3A_334 : i32 to vector<16xi32>
      %mul3A_336 = arith.muli %iota3A, %mul3A_335 : vector<16xi32>
      %slice3A_337 = vector.extract_strided_slice %and3A_14 {offsets = [0], sizes = [1], strides = [1]} : vector<16xi32> to vector<1xi32>
      %squeeze3A_338 = vector.extract %slice3A_337[0] : i32 from vector<1xi32>
      %add3A_339 = vector.broadcast %squeeze3A_338 : i32 to vector<16xi32>
      %add3A_340 = arith.addi %mul3A_336, %add3A_339 : vector<16xi32>
      %add3A_341 = arith.constant 0 : i32
      %add3A_342 = vector.broadcast %add3A_341 : i32 to vector<16xi32>
      %add3A_343 = arith.addi %shift_right_arithmetic3A_317, %add3A_342 : vector<16xi32>
      %gather3A = tpu.vector_load_idx %arg6[%add3A_343, %and3A_320, %add3A_340] : memref<64x8x128xf32, #tpu.memory_space<vmem>>[vector<16xi32>, vector<16xi32>, vector<16xi32>], vector<16xf32>,
      %add3A_344 = arith.constant 2 : i32
      %add3A_345 = vector.broadcast %add3A_344 : i32 to vector<16xi32>
      %add3A_346 = arith.addi %shift_right_arithmetic3A_317, %add3A_345 : vector<16xi32>
      %add3A_347 = arith.constant 0 : i32
      %add3A_348 = vector.broadcast %add3A_347 : i32 to vector<16xi32>
      %add3A_349 = arith.addi %add3A_346, %add3A_348 : vector<16xi32>
      %gather3A_350 = tpu.vector_load_idx %arg6[%add3A_349, %and3A_320, %add3A_340] : memref<64x8x128xf32, #tpu.memory_space<vmem>>[vector<16xi32>, vector<16xi32>, vector<16xi32>], vector<16xf32>,
      %mul3A_351 = arith.constant 0 : i32
      %mul3A_352 = vector.broadcast %mul3A_351 : i32 to vector<16xi32>
      %mul3A_353 = arith.muli %iota3A, %mul3A_352 : vector<16xi32>
      %mul3A_354 = arith.constant 16 : i32
      %mul3A_355 = arith.muli %scan3A_7, %mul3A_354 : i32
      %add3A_356 = arith.constant 0 : i32
      %add3A_357 = arith.addi %mul3A_355, %add3A_356 : i32
      %add3A_358 = vector.broadcast %add3A_357 : i32 to vector<16xi32>
      %add3A_359 = arith.addi %mul3A_353, %add3A_358 : vector<16xi32>
      tpu.vector_store_idx %arg7[%shift_right_arithmetic3A_317, %and3A_320, %add3A_359], %gather3A : memref<4x8x512xf32, #tpu.memory_space<vmem>>[vector<16xi32>, vector<16xi32>, vector<16xi32>], vector<16xf32>,
      %add3A_360 = arith.constant 2 : i32
      %add3A_361 = vector.broadcast %add3A_360 : i32 to vector<16xi32>
      %add3A_362 = arith.addi %shift_right_arithmetic3A_317, %add3A_361 : vector<16xi32>
      tpu.vector_store_idx %arg7[%add3A_362, %and3A_320, %add3A_359], %gather3A_350 : memref<4x8x512xf32, #tpu.memory_space<vmem>>[vector<16xi32>, vector<16xi32>, vector<16xi32>], vector<16xf32>,
      %dma_wait3A_363 = arith.constant 4 : i32
      %dma_wait3A_364 = arith.constant 0 : i32
      %dma_wait3A_365 = arith.constant 0 : i32
      %dma_wait3A_366 = tpu.memref_slice %arg6[%dma_wait3A_363, %dma_wait3A_364, %dma_wait3A_365] : memref<64x8x128xf32, #tpu.memory_space<vmem>> -> memref<4x8x128xf32, #tpu.memory_space<vmem>>
      %dma_wait3A_367 = arith.constant 0 : i32
      %dma_wait3A_368 = arith.constant 0 : i32
      %dma_wait3A_369 = tpu.memref_slice %arg2[%dma_wait3A_367, %dma_wait3A_368, %multiple_of3A_34] : memref<4x8x1000000xf32, #tpu.memory_space<hbm>> -> memref<4x8x128xf32, #tpu.memory_space<hbm>>
      %dma_wait3A_370 = arith.constant 4 : i32
      %dma_wait3A_371 = arith.constant 0 : i32
      %dma_wait3A_372 = arith.constant 0 : i32
      %dma_wait3A_373 = tpu.memref_slice %arg6[%dma_wait3A_370, %dma_wait3A_371, %dma_wait3A_372] : memref<64x8x128xf32, #tpu.memory_space<vmem>> -> memref<4x8x128xf32, #tpu.memory_space<vmem>>
      %dma_wait3A_374 = arith.constant 0 : i32
      %dma_wait3A_375 = arith.constant 0 : i32
      %dma_wait3A_376 = tpu.memref_slice %arg2[%dma_wait3A_374, %dma_wait3A_375, %multiple_of3A_34] : memref<4x8x1000000xf32, #tpu.memory_space<hbm>> -> memref<4x8x128xf32, #tpu.memory_space<hbm>>
      tpu.wait_dma2 semaphore(%arg8 : memref<!tpu.dma_semaphore, #tpu.memory_space<semaphore_mem>>) src(%dma_wait3A_376 : memref<4x8x128xf32, #tpu.memory_space<hbm>>) dst(%dma_wait3A_373 : memref<4x8x128xf32, #tpu.memory_space<vmem>>)
      %mul3A_377 = arith.constant 0 : i32
      %mul3A_378 = vector.broadcast %mul3A_377 : i32 to vector<16xi32>
      %mul3A_379 = arith.muli %iota3A, %mul3A_378 : vector<16xi32>
      %slice3A_380 = vector.extract_strided_slice %and3A_14 {offsets = [1], sizes = [1], strides = [1]} : vector<16xi32> to vector<1xi32>
      %squeeze3A_381 = vector.extract %slice3A_380[0] : i32 from vector<1xi32>
      %add3A_382 = vector.broadcast %squeeze3A_381 : i32 to vector<16xi32>
      %add3A_383 = arith.addi %mul3A_379, %add3A_382 : vector<16xi32>
      %add3A_384 = arith.constant 4 : i32
      %add3A_385 = vector.broadcast %add3A_384 : i32 to vector<16xi32>
      %add3A_386 = arith.addi %shift_right_arithmetic3A_317, %add3A_385 : vector<16xi32>
      %gather3A_387 = tpu.vector_load_idx %arg6[%add3A_386, %and3A_320, %add3A_383] : memref<64x8x128xf32, #tpu.memory_space<vmem>>[vector<16xi32>, vector<16xi32>, vector<16xi32>], vector<16xf32>,
      %add3A_388 = arith.constant 2 : i32
      %add3A_389 = vector.broadcast %add3A_388 : i32 to vector<16xi32>
      %add3A_390 = arith.addi %shift_right_arithmetic3A_317, %add3A_389 : vector<16xi32>
      %add3A_391 = arith.constant 4 : i32
      %add3A_392 = vector.broadcast %add3A_391 : i32 to vector<16xi32>
      %add3A_393 = arith.addi %add3A_390, %add3A_392 : vector<16xi32>
      %gather3A_394 = tpu.vector_load_idx %arg6[%add3A_393, %and3A_320, %add3A_383] : memref<64x8x128xf32, #tpu.memory_space<vmem>>[vector<16xi32>, vector<16xi32>, vector<16xi32>], vector<16xf32>,
      %mul3A_395 = arith.constant 0 : i32
      %mul3A_396 = vector.broadcast %mul3A_395 : i32 to vector<16xi32>
      %mul3A_397 = arith.muli %iota3A, %mul3A_396 : vector<16xi32>
      %mul3A_398 = arith.constant 16 : i32
      %mul3A_399 = arith.muli %scan3A_7, %mul3A_398 : i32
      %add3A_400 = arith.constant 1 : i32
      %add3A_401 = arith.addi %mul3A_399, %add3A_400 : i32
      %add3A_402 = vector.broadcast %add3A_401 : i32 to vector<16xi32>
      %add3A_403 = arith.addi %mul3A_397, %add3A_402 : vector<16xi32>
      tpu.vector_store_idx %arg7[%shift_right_arithmetic3A_317, %and3A_320, %add3A_403], %gather3A_387 : memref<4x8x512xf32, #tpu.memory_space<vmem>>[vector<16xi32>, vector<16xi32>, vector<16xi32>], vector<16xf32>,
      %add3A_404 = arith.constant 2 : i32
      %add3A_405 = vector.broadcast %add3A_404 : i32 to vector<16xi32>
      %add3A_406 = arith.addi %shift_right_arithmetic3A_317, %add3A_405 : vector<16xi32>
      tpu.vector_store_idx %arg7[%add3A_406, %and3A_320, %add3A_403], %gather3A_394 : memref<4x8x512xf32, #tpu.memory_space<vmem>>[vector<16xi32>, vector<16xi32>, vector<16xi32>], vector<16xf32>,
      %dma_wait3A_407 = arith.constant 8 : i32
      %dma_wait3A_408 = arith.constant 0 : i32
      %dma_wait3A_409 = arith.constant 0 : i32
      %dma_wait3A_410 = tpu.memref_slice %arg6[%dma_wait3A_407, %dma_wait3A_408, %dma_wait3A_409] : memref<64x8x128xf32, #tpu.memory_space<vmem>> -> memref<4x8x128xf32, #tpu.memory_space<vmem>>
      %dma_wait3A_411 = arith.constant 0 : i32
      %dma_wait3A_412 = arith.constant 0 : i32
      %dma_wait3A_413 = tpu.memref_slice %arg2[%dma_wait3A_411, %dma_wait3A_412, %multiple_of3A_53] : memref<4x8x1000000xf32, #tpu.memory_space<hbm>> -> memref<4x8x128xf32, #tpu.memory_space<hbm>>
      %dma_wait3A_414 = arith.constant 8 : i32
      %dma_wait3A_415 = arith.constant 0 : i32
      %dma_wait3A_416 = arith.constant 0 : i32
      %dma_wait3A_417 = tpu.memref_slice %arg6[%dma_wait3A_414, %dma_wait3A_415, %dma_wait3A_416] : memref<64x8x128xf32, #tpu.memory_space<vmem>> -> memref<4x8x128xf32, #tpu.memory_space<vmem>>
      %dma_wait3A_418 = arith.constant 0 : i32
      %dma_wait3A_419 = arith.constant 0 : i32
      %dma_wait3A_420 = tpu.memref_slice %arg2[%dma_wait3A_418, %dma_wait3A_419, %multiple_of3A_53] : memref<4x8x1000000xf32, #tpu.memory_space<hbm>> -> memref<4x8x128xf32, #tpu.memory_space<hbm>>
      tpu.wait_dma2 semaphore(%arg8 : memref<!tpu.dma_semaphore, #tpu.memory_space<semaphore_mem>>) src(%dma_wait3A_420 : memref<4x8x128xf32, #tpu.memory_space<hbm>>) dst(%dma_wait3A_417 : memref<4x8x128xf32, #tpu.memory_space<vmem>>)
      %mul3A_421 = arith.constant 0 : i32
      %mul3A_422 = vector.broadcast %mul3A_421 : i32 to vector<16xi32>
      %mul3A_423 = arith.muli %iota3A, %mul3A_422 : vector<16xi32>
      %slice3A_424 = vector.extract_strided_slice %and3A_14 {offsets = [2], sizes = [1], strides = [1]} : vector<16xi32> to vector<1xi32>
      %squeeze3A_425 = vector.extract %slice3A_424[0] : i32 from vector<1xi32>
      %add3A_426 = vector.broadcast %squeeze3A_425 : i32 to vector<16xi32>
      %add3A_427 = arith.addi %mul3A_423, %add3A_426 : vector<16xi32>
      %add3A_428 = arith.constant 8 : i32
      %add3A_429 = vector.broadcast %add3A_428 : i32 to vector<16xi32>
      %add3A_430 = arith.addi %shift_right_arithmetic3A_317, %add3A_429 : vector<16xi32>
      %gather3A_431 = tpu.vector_load_idx %arg6[%add3A_430, %and3A_320, %add3A_427] : memref<64x8x128xf32, #tpu.memory_space<vmem>>[vector<16xi32>, vector<16xi32>, vector<16xi32>], vector<16xf32>,
      %add3A_432 = arith.constant 2 : i32
      %add3A_433 = vector.broadcast %add3A_432 : i32 to vector<16xi32>
      %add3A_434 = arith.addi %shift_right_arithmetic3A_317, %add3A_433 : vector<16xi32>
      %add3A_435 = arith.constant 8 : i32
      %add3A_436 = vector.broadcast %add3A_435 : i32 to vector<16xi32>
      %add3A_437 = arith.addi %add3A_434, %add3A_436 : vector<16xi32>
      %gather3A_438 = tpu.vector_load_idx %arg6[%add3A_437, %and3A_320, %add3A_427] : memref<64x8x128xf32, #tpu.memory_space<vmem>>[vector<16xi32>, vector<16xi32>, vector<16xi32>], vector<16xf32>,
      %mul3A_439 = arith.constant 0 : i32
      %mul3A_440 = vector.broadcast %mul3A_439 : i32 to vector<16xi32>
      %mul3A_441 = arith.muli %iota3A, %mul3A_440 : vector<16xi32>
      %mul3A_442 = arith.constant 16 : i32
      %mul3A_443 = arith.muli %scan3A_7, %mul3A_442 : i32
      %add3A_444 = arith.constant 2 : i32
      %add3A_445 = arith.addi %mul3A_443, %add3A_444 : i32
      %add3A_446 = vector.broadcast %add3A_445 : i32 to vector<16xi32>
      %add3A_447 = arith.addi %mul3A_441, %add3A_446 : vector<16xi32>
      tpu.vector_store_idx %arg7[%shift_right_arithmetic3A_317, %and3A_320, %add3A_447], %gather3A_431 : memref<4x8x512xf32, #tpu.memory_space<vmem>>[vector<16xi32>, vector<16xi32>, vector<16xi32>], vector<16xf32>,
      %add3A_448 = arith.constant 2 : i32
      %add3A_449 = vector.broadcast %add3A_448 : i32 to vector<16xi32>
      %add3A_450 = arith.addi %shift_right_arithmetic3A_317, %add3A_449 : vector<16xi32>
      tpu.vector_store_idx %arg7[%add3A_450, %and3A_320, %add3A_447], %gather3A_438 : memref<4x8x512xf32, #tpu.memory_space<vmem>>[vector<16xi32>, vector<16xi32>, vector<16xi32>], vector<16xf32>,
      %dma_wait3A_451 = arith.constant 12 : i32
      %dma_wait3A_452 = arith.constant 0 : i32
      %dma_wait3A_453 = arith.constant 0 : i32
      %dma_wait3A_454 = tpu.memref_slice %arg6[%dma_wait3A_451, %dma_wait3A_452, %dma_wait3A_453] : memref<64x8x128xf32, #tpu.memory_space<vmem>> -> memref<4x8x128xf32, #tpu.memory_space<vmem>>
      %dma_wait3A_455 = arith.constant 0 : i32
      %dma_wait3A_456 = arith.constant 0 : i32
      %dma_wait3A_457 = tpu.memref_slice %arg2[%dma_wait3A_455, %dma_wait3A_456, %multiple_of3A_72] : memref<4x8x1000000xf32, #tpu.memory_space<hbm>> -> memref<4x8x128xf32, #tpu.memory_space<hbm>>
      %dma_wait3A_458 = arith.constant 12 : i32
      %dma_wait3A_459 = arith.constant 0 : i32
      %dma_wait3A_460 = arith.constant 0 : i32
      %dma_wait3A_461 = tpu.memref_slice %arg6[%dma_wait3A_458, %dma_wait3A_459, %dma_wait3A_460] : memref<64x8x128xf32, #tpu.memory_space<vmem>> -> memref<4x8x128xf32, #tpu.memory_space<vmem>>
      %dma_wait3A_462 = arith.constant 0 : i32
      %dma_wait3A_463 = arith.constant 0 : i32
      %dma_wait3A_464 = tpu.memref_slice %arg2[%dma_wait3A_462, %dma_wait3A_463, %multiple_of3A_72] : memref<4x8x1000000xf32, #tpu.memory_space<hbm>> -> memref<4x8x128xf32, #tpu.memory_space<hbm>>
      tpu.wait_dma2 semaphore(%arg8 : memref<!tpu.dma_semaphore, #tpu.memory_space<semaphore_mem>>) src(%dma_wait3A_464 : memref<4x8x128xf32, #tpu.memory_space<hbm>>) dst(%dma_wait3A_461 : memref<4x8x128xf32, #tpu.memory_space<vmem>>)
      %mul3A_465 = arith.constant 0 : i32
      %mul3A_466 = vector.broadcast %mul3A_465 : i32 to vector<16xi32>
      %mul3A_467 = arith.muli %iota3A, %mul3A_466 : vector<16xi32>
      %slice3A_468 = vector.extract_strided_slice %and3A_14 {offsets = [3], sizes = [1], strides = [1]} : vector<16xi32> to vector<1xi32>
      %squeeze3A_469 = vector.extract %slice3A_468[0] : i32 from vector<1xi32>
      %add3A_470 = vector.broadcast %squeeze3A_469 : i32 to vector<16xi32>
      %add3A_471 = arith.addi %mul3A_467, %add3A_470 : vector<16xi32>
      %add3A_472 = arith.constant 12 : i32
      %add3A_473 = vector.broadcast %add3A_472 : i32 to vector<16xi32>
      %add3A_474 = arith.addi %shift_right_arithmetic3A_317, %add3A_473 : vector<16xi32>
      %gather3A_475 = tpu.vector_load_idx %arg6[%add3A_474, %and3A_320, %add3A_471] : memref<64x8x128xf32, #tpu.memory_space<vmem>>[vector<16xi32>, vector<16xi32>, vector<16xi32>], vector<16xf32>,
      %add3A_476 = arith.constant 2 : i32
      %add3A_477 = vector.broadcast %add3A_476 : i32 to vector<16xi32>
      %add3A_478 = arith.addi %shift_right_arithmetic3A_317, %add3A_477 : vector<16xi32>
      %add3A_479 = arith.constant 12 : i32
      %add3A_480 = vector.broadcast %add3A_479 : i32 to vector<16xi32>
      %add3A_481 = arith.addi %add3A_478, %add3A_480 : vector<16xi32>
      %gather3A_482 = tpu.vector_load_idx %arg6[%add3A_481, %and3A_320, %add3A_471] : memref<64x8x128xf32, #tpu.memory_space<vmem>>[vector<16xi32>, vector<16xi32>, vector<16xi32>], vector<16xf32>,
      %mul3A_483 = arith.constant 0 : i32
      %mul3A_484 = vector.broadcast %mul3A_483 : i32 to vector<16xi32>
      %mul3A_485 = arith.muli %iota3A, %mul3A_484 : vector<16xi32>
      %mul3A_486 = arith.constant 16 : i32
      %mul3A_487 = arith.muli %scan3A_7, %mul3A_486 : i32
      %add3A_488 = arith.constant 3 : i32
      %add3A_489 = arith.addi %mul3A_487, %add3A_488 : i32
      %add3A_490 = vector.broadcast %add3A_489 : i32 to vector<16xi32>
      %add3A_491 = arith.addi %mul3A_485, %add3A_490 : vector<16xi32>
      tpu.vector_store_idx %arg7[%shift_right_arithmetic3A_317, %and3A_320, %add3A_491], %gather3A_475 : memref<4x8x512xf32, #tpu.memory_space<vmem>>[vector<16xi32>, vector<16xi32>, vector<16xi32>], vector<16xf32>,
      %add3A_492 = arith.constant 2 : i32
      %add3A_493 = vector.broadcast %add3A_492 : i32 to vector<16xi32>
      %add3A_494 = arith.addi %shift_right_arithmetic3A_317, %add3A_493 : vector<16xi32>
      tpu.vector_store_idx %arg7[%add3A_494, %and3A_320, %add3A_491], %gather3A_482 : memref<4x8x512xf32, #tpu.memory_space<vmem>>[vector<16xi32>, vector<16xi32>, vector<16xi32>], vector<16xf32>,
      %dma_wait3A_495 = arith.constant 16 : i32
      %dma_wait3A_496 = arith.constant 0 : i32
      %dma_wait3A_497 = arith.constant 0 : i32
      %dma_wait3A_498 = tpu.memref_slice %arg6[%dma_wait3A_495, %dma_wait3A_496, %dma_wait3A_497] : memref<64x8x128xf32, #tpu.memory_space<vmem>> -> memref<4x8x128xf32, #tpu.memory_space<vmem>>
      %dma_wait3A_499 = arith.constant 0 : i32
      %dma_wait3A_500 = arith.constant 0 : i32
      %dma_wait3A_501 = tpu.memref_slice %arg2[%dma_wait3A_499, %dma_wait3A_500, %multiple_of3A_91] : memref<4x8x1000000xf32, #tpu.memory_space<hbm>> -> memref<4x8x128xf32, #tpu.memory_space<hbm>>
      %dma_wait3A_502 = arith.constant 16 : i32
      %dma_wait3A_503 = arith.constant 0 : i32
      %dma_wait3A_504 = arith.constant 0 : i32
      %dma_wait3A_505 = tpu.memref_slice %arg6[%dma_wait3A_502, %dma_wait3A_503, %dma_wait3A_504] : memref<64x8x128xf32, #tpu.memory_space<vmem>> -> memref<4x8x128xf32, #tpu.memory_space<vmem>>
      %dma_wait3A_506 = arith.constant 0 : i32
      %dma_wait3A_507 = arith.constant 0 : i32
      %dma_wait3A_508 = tpu.memref_slice %arg2[%dma_wait3A_506, %dma_wait3A_507, %multiple_of3A_91] : memref<4x8x1000000xf32, #tpu.memory_space<hbm>> -> memref<4x8x128xf32, #tpu.memory_space<hbm>>
      tpu.wait_dma2 semaphore(%arg8 : memref<!tpu.dma_semaphore, #tpu.memory_space<semaphore_mem>>) src(%dma_wait3A_508 : memref<4x8x128xf32, #tpu.memory_space<hbm>>) dst(%dma_wait3A_505 : memref<4x8x128xf32, #tpu.memory_space<vmem>>)
      %mul3A_509 = arith.constant 0 : i32
      %mul3A_510 = vector.broadcast %mul3A_509 : i32 to vector<16xi32>
      %mul3A_511 = arith.muli %iota3A, %mul3A_510 : vector<16xi32>
      %slice3A_512 = vector.extract_strided_slice %and3A_14 {offsets = [4], sizes = [1], strides = [1]} : vector<16xi32> to vector<1xi32>
      %squeeze3A_513 = vector.extract %slice3A_512[0] : i32 from vector<1xi32>
      %add3A_514 = vector.broadcast %squeeze3A_513 : i32 to vector<16xi32>
      %add3A_515 = arith.addi %mul3A_511, %add3A_514 : vector<16xi32>
      %add3A_516 = arith.constant 16 : i32
      %add3A_517 = vector.broadcast %add3A_516 : i32 to vector<16xi32>
      %add3A_518 = arith.addi %shift_right_arithmetic3A_317, %add3A_517 : vector<16xi32>
      %gather3A_519 = tpu.vector_load_idx %arg6[%add3A_518, %and3A_320, %add3A_515] : memref<64x8x128xf32, #tpu.memory_space<vmem>>[vector<16xi32>, vector<16xi32>, vector<16xi32>], vector<16xf32>,
      %add3A_520 = arith.constant 2 : i32
      %add3A_521 = vector.broadcast %add3A_520 : i32 to vector<16xi32>
      %add3A_522 = arith.addi %shift_right_arithmetic3A_317, %add3A_521 : vector<16xi32>
      %add3A_523 = arith.constant 16 : i32
      %add3A_524 = vector.broadcast %add3A_523 : i32 to vector<16xi32>
      %add3A_525 = arith.addi %add3A_522, %add3A_524 : vector<16xi32>
      %gather3A_526 = tpu.vector_load_idx %arg6[%add3A_525, %and3A_320, %add3A_515] : memref<64x8x128xf32, #tpu.memory_space<vmem>>[vector<16xi32>, vector<16xi32>, vector<16xi32>], vector<16xf32>,
      %mul3A_527 = arith.constant 0 : i32
      %mul3A_528 = vector.broadcast %mul3A_527 : i32 to vector<16xi32>
      %mul3A_529 = arith.muli %iota3A, %mul3A_528 : vector<16xi32>
      %mul3A_530 = arith.constant 16 : i32
      %mul3A_531 = arith.muli %scan3A_7, %mul3A_530 : i32
      %add3A_532 = arith.constant 4 : i32
      %add3A_533 = arith.addi %mul3A_531, %add3A_532 : i32
      %add3A_534 = vector.broadcast %add3A_533 : i32 to vector<16xi32>
      %add3A_535 = arith.addi %mul3A_529, %add3A_534 : vector<16xi32>
      tpu.vector_store_idx %arg7[%shift_right_arithmetic3A_317, %and3A_320, %add3A_535], %gather3A_519 : memref<4x8x512xf32, #tpu.memory_space<vmem>>[vector<16xi32>, vector<16xi32>, vector<16xi32>], vector<16xf32>,
      %add3A_536 = arith.constant 2 : i32
      %add3A_537 = vector.broadcast %add3A_536 : i32 to vector<16xi32>
      %add3A_538 = arith.addi %shift_right_arithmetic3A_317, %add3A_537 : vector<16xi32>
      tpu.vector_store_idx %arg7[%add3A_538, %and3A_320, %add3A_535], %gather3A_526 : memref<4x8x512xf32, #tpu.memory_space<vmem>>[vector<16xi32>, vector<16xi32>, vector<16xi32>], vector<16xf32>,
      %dma_wait3A_539 = arith.constant 20 : i32
      %dma_wait3A_540 = arith.constant 0 : i32
      %dma_wait3A_541 = arith.constant 0 : i32
      %dma_wait3A_542 = tpu.memref_slice %arg6[%dma_wait3A_539, %dma_wait3A_540, %dma_wait3A_541] : memref<64x8x128xf32, #tpu.memory_space<vmem>> -> memref<4x8x128xf32, #tpu.memory_space<vmem>>
      %dma_wait3A_543 = arith.constant 0 : i32
      %dma_wait3A_544 = arith.constant 0 : i32
      %dma_wait3A_545 = tpu.memref_slice %arg2[%dma_wait3A_543, %dma_wait3A_544, %multiple_of3A_110] : memref<4x8x1000000xf32, #tpu.memory_space<hbm>> -> memref<4x8x128xf32, #tpu.memory_space<hbm>>
      %dma_wait3A_546 = arith.constant 20 : i32
      %dma_wait3A_547 = arith.constant 0 : i32
      %dma_wait3A_548 = arith.constant 0 : i32
      %dma_wait3A_549 = tpu.memref_slice %arg6[%dma_wait3A_546, %dma_wait3A_547, %dma_wait3A_548] : memref<64x8x128xf32, #tpu.memory_space<vmem>> -> memref<4x8x128xf32, #tpu.memory_space<vmem>>
      %dma_wait3A_550 = arith.constant 0 : i32
      %dma_wait3A_551 = arith.constant 0 : i32
      %dma_wait3A_552 = tpu.memref_slice %arg2[%dma_wait3A_550, %dma_wait3A_551, %multiple_of3A_110] : memref<4x8x1000000xf32, #tpu.memory_space<hbm>> -> memref<4x8x128xf32, #tpu.memory_space<hbm>>
      tpu.wait_dma2 semaphore(%arg8 : memref<!tpu.dma_semaphore, #tpu.memory_space<semaphore_mem>>) src(%dma_wait3A_552 : memref<4x8x128xf32, #tpu.memory_space<hbm>>) dst(%dma_wait3A_549 : memref<4x8x128xf32, #tpu.memory_space<vmem>>)
      %mul3A_553 = arith.constant 0 : i32
      %mul3A_554 = vector.broadcast %mul3A_553 : i32 to vector<16xi32>
      %mul3A_555 = arith.muli %iota3A, %mul3A_554 : vector<16xi32>
      %slice3A_556 = vector.extract_strided_slice %and3A_14 {offsets = [5], sizes = [1], strides = [1]} : vector<16xi32> to vector<1xi32>
      %squeeze3A_557 = vector.extract %slice3A_556[0] : i32 from vector<1xi32>
      %add3A_558 = vector.broadcast %squeeze3A_557 : i32 to vector<16xi32>
      %add3A_559 = arith.addi %mul3A_555, %add3A_558 : vector<16xi32>
      %add3A_560 = arith.constant 20 : i32
      %add3A_561 = vector.broadcast %add3A_560 : i32 to vector<16xi32>
      %add3A_562 = arith.addi %shift_right_arithmetic3A_317, %add3A_561 : vector<16xi32>
      %gather3A_563 = tpu.vector_load_idx %arg6[%add3A_562, %and3A_320, %add3A_559] : memref<64x8x128xf32, #tpu.memory_space<vmem>>[vector<16xi32>, vector<16xi32>, vector<16xi32>], vector<16xf32>,
      %add3A_564 = arith.constant 2 : i32
      %add3A_565 = vector.broadcast %add3A_564 : i32 to vector<16xi32>
      %add3A_566 = arith.addi %shift_right_arithmetic3A_317, %add3A_565 : vector<16xi32>
      %add3A_567 = arith.constant 20 : i32
      %add3A_568 = vector.broadcast %add3A_567 : i32 to vector<16xi32>
      %add3A_569 = arith.addi %add3A_566, %add3A_568 : vector<16xi32>
      %gather3A_570 = tpu.vector_load_idx %arg6[%add3A_569, %and3A_320, %add3A_559] : memref<64x8x128xf32, #tpu.memory_space<vmem>>[vector<16xi32>, vector<16xi32>, vector<16xi32>], vector<16xf32>,
      %mul3A_571 = arith.constant 0 : i32
      %mul3A_572 = vector.broadcast %mul3A_571 : i32 to vector<16xi32>
      %mul3A_573 = arith.muli %iota3A, %mul3A_572 : vector<16xi32>
      %mul3A_574 = arith.constant 16 : i32
      %mul3A_575 = arith.muli %scan3A_7, %mul3A_574 : i32
      %add3A_576 = arith.constant 5 : i32
      %add3A_577 = arith.addi %mul3A_575, %add3A_576 : i32
      %add3A_578 = vector.broadcast %add3A_577 : i32 to vector<16xi32>
      %add3A_579 = arith.addi %mul3A_573, %add3A_578 : vector<16xi32>
      tpu.vector_store_idx %arg7[%shift_right_arithmetic3A_317, %and3A_320, %add3A_579], %gather3A_563 : memref<4x8x512xf32, #tpu.memory_space<vmem>>[vector<16xi32>, vector<16xi32>, vector<16xi32>], vector<16xf32>,
      %add3A_580 = arith.constant 2 : i32
      %add3A_581 = vector.broadcast %add3A_580 : i32 to vector<16xi32>
      %add3A_582 = arith.addi %shift_right_arithmetic3A_317, %add3A_581 : vector<16xi32>
      tpu.vector_store_idx %arg7[%add3A_582, %and3A_320, %add3A_579], %gather3A_570 : memref<4x8x512xf32, #tpu.memory_space<vmem>>[vector<16xi32>, vector<16xi32>, vector<16xi32>], vector<16xf32>,
      %dma_wait3A_583 = arith.constant 24 : i32
      %dma_wait3A_584 = arith.constant 0 : i32
      %dma_wait3A_585 = arith.constant 0 : i32
      %dma_wait3A_586 = tpu.memref_slice %arg6[%dma_wait3A_583, %dma_wait3A_584, %dma_wait3A_585] : memref<64x8x128xf32, #tpu.memory_space<vmem>> -> memref<4x8x128xf32, #tpu.memory_space<vmem>>
      %dma_wait3A_587 = arith.constant 0 : i32
      %dma_wait3A_588 = arith.constant 0 : i32
      %dma_wait3A_589 = tpu.memref_slice %arg2[%dma_wait3A_587, %dma_wait3A_588, %multiple_of3A_129] : memref<4x8x1000000xf32, #tpu.memory_space<hbm>> -> memref<4x8x128xf32, #tpu.memory_space<hbm>>
      %dma_wait3A_590 = arith.constant 24 : i32
      %dma_wait3A_591 = arith.constant 0 : i32
      %dma_wait3A_592 = arith.constant 0 : i32
      %dma_wait3A_593 = tpu.memref_slice %arg6[%dma_wait3A_590, %dma_wait3A_591, %dma_wait3A_592] : memref<64x8x128xf32, #tpu.memory_space<vmem>> -> memref<4x8x128xf32, #tpu.memory_space<vmem>>
      %dma_wait3A_594 = arith.constant 0 : i32
      %dma_wait3A_595 = arith.constant 0 : i32
      %dma_wait3A_596 = tpu.memref_slice %arg2[%dma_wait3A_594, %dma_wait3A_595, %multiple_of3A_129] : memref<4x8x1000000xf32, #tpu.memory_space<hbm>> -> memref<4x8x128xf32, #tpu.memory_space<hbm>>
      tpu.wait_dma2 semaphore(%arg8 : memref<!tpu.dma_semaphore, #tpu.memory_space<semaphore_mem>>) src(%dma_wait3A_596 : memref<4x8x128xf32, #tpu.memory_space<hbm>>) dst(%dma_wait3A_593 : memref<4x8x128xf32, #tpu.memory_space<vmem>>)
      %mul3A_597 = arith.constant 0 : i32
      %mul3A_598 = vector.broadcast %mul3A_597 : i32 to vector<16xi32>
      %mul3A_599 = arith.muli %iota3A, %mul3A_598 : vector<16xi32>
      %slice3A_600 = vector.extract_strided_slice %and3A_14 {offsets = [6], sizes = [1], strides = [1]} : vector<16xi32> to vector<1xi32>
      %squeeze3A_601 = vector.extract %slice3A_600[0] : i32 from vector<1xi32>
      %add3A_602 = vector.broadcast %squeeze3A_601 : i32 to vector<16xi32>
      %add3A_603 = arith.addi %mul3A_599, %add3A_602 : vector<16xi32>
      %add3A_604 = arith.constant 24 : i32
      %add3A_605 = vector.broadcast %add3A_604 : i32 to vector<16xi32>
      %add3A_606 = arith.addi %shift_right_arithmetic3A_317, %add3A_605 : vector<16xi32>
      %gather3A_607 = tpu.vector_load_idx %arg6[%add3A_606, %and3A_320, %add3A_603] : memref<64x8x128xf32, #tpu.memory_space<vmem>>[vector<16xi32>, vector<16xi32>, vector<16xi32>], vector<16xf32>,
      %add3A_608 = arith.constant 2 : i32
      %add3A_609 = vector.broadcast %add3A_608 : i32 to vector<16xi32>
      %add3A_610 = arith.addi %shift_right_arithmetic3A_317, %add3A_609 : vector<16xi32>
      %add3A_611 = arith.constant 24 : i32
      %add3A_612 = vector.broadcast %add3A_611 : i32 to vector<16xi32>
      %add3A_613 = arith.addi %add3A_610, %add3A_612 : vector<16xi32>
      %gather3A_614 = tpu.vector_load_idx %arg6[%add3A_613, %and3A_320, %add3A_603] : memref<64x8x128xf32, #tpu.memory_space<vmem>>[vector<16xi32>, vector<16xi32>, vector<16xi32>], vector<16xf32>,
      %mul3A_615 = arith.constant 0 : i32
      %mul3A_616 = vector.broadcast %mul3A_615 : i32 to vector<16xi32>
      %mul3A_617 = arith.muli %iota3A, %mul3A_616 : vector<16xi32>
      %mul3A_618 = arith.constant 16 : i32
      %mul3A_619 = arith.muli %scan3A_7, %mul3A_618 : i32
      %add3A_620 = arith.constant 6 : i32
      %add3A_621 = arith.addi %mul3A_619, %add3A_620 : i32
      %add3A_622 = vector.broadcast %add3A_621 : i32 to vector<16xi32>
      %add3A_623 = arith.addi %mul3A_617, %add3A_622 : vector<16xi32>
      tpu.vector_store_idx %arg7[%shift_right_arithmetic3A_317, %and3A_320, %add3A_623], %gather3A_607 : memref<4x8x512xf32, #tpu.memory_space<vmem>>[vector<16xi32>, vector<16xi32>, vector<16xi32>], vector<16xf32>,
      %add3A_624 = arith.constant 2 : i32
      %add3A_625 = vector.broadcast %add3A_624 : i32 to vector<16xi32>
      %add3A_626 = arith.addi %shift_right_arithmetic3A_317, %add3A_625 : vector<16xi32>
      tpu.vector_store_idx %arg7[%add3A_626, %and3A_320, %add3A_623], %gather3A_614 : memref<4x8x512xf32, #tpu.memory_space<vmem>>[vector<16xi32>, vector<16xi32>, vector<16xi32>], vector<16xf32>,
      %dma_wait3A_627 = arith.constant 28 : i32
      %dma_wait3A_628 = arith.constant 0 : i32
      %dma_wait3A_629 = arith.constant 0 : i32
      %dma_wait3A_630 = tpu.memref_slice %arg6[%dma_wait3A_627, %dma_wait3A_628, %dma_wait3A_629] : memref<64x8x128xf32, #tpu.memory_space<vmem>> -> memref<4x8x128xf32, #tpu.memory_space<vmem>>
      %dma_wait3A_631 = arith.constant 0 : i32
      %dma_wait3A_632 = arith.constant 0 : i32
      %dma_wait3A_633 = tpu.memref_slice %arg2[%dma_wait3A_631, %dma_wait3A_632, %multiple_of3A_148] : memref<4x8x1000000xf32, #tpu.memory_space<hbm>> -> memref<4x8x128xf32, #tpu.memory_space<hbm>>
      %dma_wait3A_634 = arith.constant 28 : i32
      %dma_wait3A_635 = arith.constant 0 : i32
      %dma_wait3A_636 = arith.constant 0 : i32
      %dma_wait3A_637 = tpu.memref_slice %arg6[%dma_wait3A_634, %dma_wait3A_635, %dma_wait3A_636] : memref<64x8x128xf32, #tpu.memory_space<vmem>> -> memref<4x8x128xf32, #tpu.memory_space<vmem>>
      %dma_wait3A_638 = arith.constant 0 : i32
      %dma_wait3A_639 = arith.constant 0 : i32
      %dma_wait3A_640 = tpu.memref_slice %arg2[%dma_wait3A_638, %dma_wait3A_639, %multiple_of3A_148] : memref<4x8x1000000xf32, #tpu.memory_space<hbm>> -> memref<4x8x128xf32, #tpu.memory_space<hbm>>
      tpu.wait_dma2 semaphore(%arg8 : memref<!tpu.dma_semaphore, #tpu.memory_space<semaphore_mem>>) src(%dma_wait3A_640 : memref<4x8x128xf32, #tpu.memory_space<hbm>>) dst(%dma_wait3A_637 : memref<4x8x128xf32, #tpu.memory_space<vmem>>)
      %mul3A_641 = arith.constant 0 : i32
      %mul3A_642 = vector.broadcast %mul3A_641 : i32 to vector<16xi32>
      %mul3A_643 = arith.muli %iota3A, %mul3A_642 : vector<16xi32>
      %slice3A_644 = vector.extract_strided_slice %and3A_14 {offsets = [7], sizes = [1], strides = [1]} : vector<16xi32> to vector<1xi32>
      %squeeze3A_645 = vector.extract %slice3A_644[0] : i32 from vector<1xi32>
      %add3A_646 = vector.broadcast %squeeze3A_645 : i32 to vector<16xi32>
      %add3A_647 = arith.addi %mul3A_643, %add3A_646 : vector<16xi32>
      %add3A_648 = arith.constant 28 : i32
      %add3A_649 = vector.broadcast %add3A_648 : i32 to vector<16xi32>
      %add3A_650 = arith.addi %shift_right_arithmetic3A_317, %add3A_649 : vector<16xi32>
      %gather3A_651 = tpu.vector_load_idx %arg6[%add3A_650, %and3A_320, %add3A_647] : memref<64x8x128xf32, #tpu.memory_space<vmem>>[vector<16xi32>, vector<16xi32>, vector<16xi32>], vector<16xf32>,
      %add3A_652 = arith.constant 2 : i32
      %add3A_653 = vector.broadcast %add3A_652 : i32 to vector<16xi32>
      %add3A_654 = arith.addi %shift_right_arithmetic3A_317, %add3A_653 : vector<16xi32>
      %add3A_655 = arith.constant 28 : i32
      %add3A_656 = vector.broadcast %add3A_655 : i32 to vector<16xi32>
      %add3A_657 = arith.addi %add3A_654, %add3A_656 : vector<16xi32>
      %gather3A_658 = tpu.vector_load_idx %arg6[%add3A_657, %and3A_320, %add3A_647] : memref<64x8x128xf32, #tpu.memory_space<vmem>>[vector<16xi32>, vector<16xi32>, vector<16xi32>], vector<16xf32>,
      %mul3A_659 = arith.constant 0 : i32
      %mul3A_660 = vector.broadcast %mul3A_659 : i32 to vector<16xi32>
      %mul3A_661 = arith.muli %iota3A, %mul3A_660 : vector<16xi32>
      %mul3A_662 = arith.constant 16 : i32
      %mul3A_663 = arith.muli %scan3A_7, %mul3A_662 : i32
      %add3A_664 = arith.constant 7 : i32
      %add3A_665 = arith.addi %mul3A_663, %add3A_664 : i32
      %add3A_666 = vector.broadcast %add3A_665 : i32 to vector<16xi32>
      %add3A_667 = arith.addi %mul3A_661, %add3A_666 : vector<16xi32>
      tpu.vector_store_idx %arg7[%shift_right_arithmetic3A_317, %and3A_320, %add3A_667], %gather3A_651 : memref<4x8x512xf32, #tpu.memory_space<vmem>>[vector<16xi32>, vector<16xi32>, vector<16xi32>], vector<16xf32>,
      %add3A_668 = arith.constant 2 : i32
      %add3A_669 = vector.broadcast %add3A_668 : i32 to vector<16xi32>
      %add3A_670 = arith.addi %shift_right_arithmetic3A_317, %add3A_669 : vector<16xi32>
      tpu.vector_store_idx %arg7[%add3A_670, %and3A_320, %add3A_667], %gather3A_658 : memref<4x8x512xf32, #tpu.memory_space<vmem>>[vector<16xi32>, vector<16xi32>, vector<16xi32>], vector<16xf32>,
      %dma_wait3A_671 = arith.constant 32 : i32
      %dma_wait3A_672 = arith.constant 0 : i32
      %dma_wait3A_673 = arith.constant 0 : i32
      %dma_wait3A_674 = tpu.memref_slice %arg6[%dma_wait3A_671, %dma_wait3A_672, %dma_wait3A_673] : memref<64x8x128xf32, #tpu.memory_space<vmem>> -> memref<4x8x128xf32, #tpu.memory_space<vmem>>
      %dma_wait3A_675 = arith.constant 0 : i32
      %dma_wait3A_676 = arith.constant 0 : i32
      %dma_wait3A_677 = tpu.memref_slice %arg2[%dma_wait3A_675, %dma_wait3A_676, %multiple_of3A_167] : memref<4x8x1000000xf32, #tpu.memory_space<hbm>> -> memref<4x8x128xf32, #tpu.memory_space<hbm>>
      %dma_wait3A_678 = arith.constant 32 : i32
      %dma_wait3A_679 = arith.constant 0 : i32
      %dma_wait3A_680 = arith.constant 0 : i32
      %dma_wait3A_681 = tpu.memref_slice %arg6[%dma_wait3A_678, %dma_wait3A_679, %dma_wait3A_680] : memref<64x8x128xf32, #tpu.memory_space<vmem>> -> memref<4x8x128xf32, #tpu.memory_space<vmem>>
      %dma_wait3A_682 = arith.constant 0 : i32
      %dma_wait3A_683 = arith.constant 0 : i32
      %dma_wait3A_684 = tpu.memref_slice %arg2[%dma_wait3A_682, %dma_wait3A_683, %multiple_of3A_167] : memref<4x8x1000000xf32, #tpu.memory_space<hbm>> -> memref<4x8x128xf32, #tpu.memory_space<hbm>>
      tpu.wait_dma2 semaphore(%arg8 : memref<!tpu.dma_semaphore, #tpu.memory_space<semaphore_mem>>) src(%dma_wait3A_684 : memref<4x8x128xf32, #tpu.memory_space<hbm>>) dst(%dma_wait3A_681 : memref<4x8x128xf32, #tpu.memory_space<vmem>>)
      %mul3A_685 = arith.constant 0 : i32
      %mul3A_686 = vector.broadcast %mul3A_685 : i32 to vector<16xi32>
      %mul3A_687 = arith.muli %iota3A, %mul3A_686 : vector<16xi32>
      %slice3A_688 = vector.extract_strided_slice %and3A_14 {offsets = [8], sizes = [1], strides = [1]} : vector<16xi32> to vector<1xi32>
      %squeeze3A_689 = vector.extract %slice3A_688[0] : i32 from vector<1xi32>
      %add3A_690 = vector.broadcast %squeeze3A_689 : i32 to vector<16xi32>
      %add3A_691 = arith.addi %mul3A_687, %add3A_690 : vector<16xi32>
      %add3A_692 = arith.constant 32 : i32
      %add3A_693 = vector.broadcast %add3A_692 : i32 to vector<16xi32>
      %add3A_694 = arith.addi %shift_right_arithmetic3A_317, %add3A_693 : vector<16xi32>
      %gather3A_695 = tpu.vector_load_idx %arg6[%add3A_694, %and3A_320, %add3A_691] : memref<64x8x128xf32, #tpu.memory_space<vmem>>[vector<16xi32>, vector<16xi32>, vector<16xi32>], vector<16xf32>,
      %add3A_696 = arith.constant 2 : i32
      %add3A_697 = vector.broadcast %add3A_696 : i32 to vector<16xi32>
      %add3A_698 = arith.addi %shift_right_arithmetic3A_317, %add3A_697 : vector<16xi32>
      %add3A_699 = arith.constant 32 : i32
      %add3A_700 = vector.broadcast %add3A_699 : i32 to vector<16xi32>
      %add3A_701 = arith.addi %add3A_698, %add3A_700 : vector<16xi32>
      %gather3A_702 = tpu.vector_load_idx %arg6[%add3A_701, %and3A_320, %add3A_691] : memref<64x8x128xf32, #tpu.memory_space<vmem>>[vector<16xi32>, vector<16xi32>, vector<16xi32>], vector<16xf32>,
      %mul3A_703 = arith.constant 0 : i32
      %mul3A_704 = vector.broadcast %mul3A_703 : i32 to vector<16xi32>
      %mul3A_705 = arith.muli %iota3A, %mul3A_704 : vector<16xi32>
      %mul3A_706 = arith.constant 16 : i32
      %mul3A_707 = arith.muli %scan3A_7, %mul3A_706 : i32
      %add3A_708 = arith.constant 8 : i32
      %add3A_709 = arith.addi %mul3A_707, %add3A_708 : i32
      %add3A_710 = vector.broadcast %add3A_709 : i32 to vector<16xi32>
      %add3A_711 = arith.addi %mul3A_705, %add3A_710 : vector<16xi32>
      tpu.vector_store_idx %arg7[%shift_right_arithmetic3A_317, %and3A_320, %add3A_711], %gather3A_695 : memref<4x8x512xf32, #tpu.memory_space<vmem>>[vector<16xi32>, vector<16xi32>, vector<16xi32>], vector<16xf32>,
      %add3A_712 = arith.constant 2 : i32
      %add3A_713 = vector.broadcast %add3A_712 : i32 to vector<16xi32>
      %add3A_714 = arith.addi %shift_right_arithmetic3A_317, %add3A_713 : vector<16xi32>
      tpu.vector_store_idx %arg7[%add3A_714, %and3A_320, %add3A_711], %gather3A_702 : memref<4x8x512xf32, #tpu.memory_space<vmem>>[vector<16xi32>, vector<16xi32>, vector<16xi32>], vector<16xf32>,
      %dma_wait3A_715 = arith.constant 36 : i32
      %dma_wait3A_716 = arith.constant 0 : i32
      %dma_wait3A_717 = arith.constant 0 : i32
      %dma_wait3A_718 = tpu.memref_slice %arg6[%dma_wait3A_715, %dma_wait3A_716, %dma_wait3A_717] : memref<64x8x128xf32, #tpu.memory_space<vmem>> -> memref<4x8x128xf32, #tpu.memory_space<vmem>>
      %dma_wait3A_719 = arith.constant 0 : i32
      %dma_wait3A_720 = arith.constant 0 : i32
      %dma_wait3A_721 = tpu.memref_slice %arg2[%dma_wait3A_719, %dma_wait3A_720, %multiple_of3A_186] : memref<4x8x1000000xf32, #tpu.memory_space<hbm>> -> memref<4x8x128xf32, #tpu.memory_space<hbm>>
      %dma_wait3A_722 = arith.constant 36 : i32
      %dma_wait3A_723 = arith.constant 0 : i32
      %dma_wait3A_724 = arith.constant 0 : i32
      %dma_wait3A_725 = tpu.memref_slice %arg6[%dma_wait3A_722, %dma_wait3A_723, %dma_wait3A_724] : memref<64x8x128xf32, #tpu.memory_space<vmem>> -> memref<4x8x128xf32, #tpu.memory_space<vmem>>
      %dma_wait3A_726 = arith.constant 0 : i32
      %dma_wait3A_727 = arith.constant 0 : i32
      %dma_wait3A_728 = tpu.memref_slice %arg2[%dma_wait3A_726, %dma_wait3A_727, %multiple_of3A_186] : memref<4x8x1000000xf32, #tpu.memory_space<hbm>> -> memref<4x8x128xf32, #tpu.memory_space<hbm>>
      tpu.wait_dma2 semaphore(%arg8 : memref<!tpu.dma_semaphore, #tpu.memory_space<semaphore_mem>>) src(%dma_wait3A_728 : memref<4x8x128xf32, #tpu.memory_space<hbm>>) dst(%dma_wait3A_725 : memref<4x8x128xf32, #tpu.memory_space<vmem>>)
      %mul3A_729 = arith.constant 0 : i32
      %mul3A_730 = vector.broadcast %mul3A_729 : i32 to vector<16xi32>
      %mul3A_731 = arith.muli %iota3A, %mul3A_730 : vector<16xi32>
      %slice3A_732 = vector.extract_strided_slice %and3A_14 {offsets = [9], sizes = [1], strides = [1]} : vector<16xi32> to vector<1xi32>
      %squeeze3A_733 = vector.extract %slice3A_732[0] : i32 from vector<1xi32>
      %add3A_734 = vector.broadcast %squeeze3A_733 : i32 to vector<16xi32>
      %add3A_735 = arith.addi %mul3A_731, %add3A_734 : vector<16xi32>
      %add3A_736 = arith.constant 36 : i32
      %add3A_737 = vector.broadcast %add3A_736 : i32 to vector<16xi32>
      %add3A_738 = arith.addi %shift_right_arithmetic3A_317, %add3A_737 : vector<16xi32>
      %gather3A_739 = tpu.vector_load_idx %arg6[%add3A_738, %and3A_320, %add3A_735] : memref<64x8x128xf32, #tpu.memory_space<vmem>>[vector<16xi32>, vector<16xi32>, vector<16xi32>], vector<16xf32>,
      %add3A_740 = arith.constant 2 : i32
      %add3A_741 = vector.broadcast %add3A_740 : i32 to vector<16xi32>
      %add3A_742 = arith.addi %shift_right_arithmetic3A_317, %add3A_741 : vector<16xi32>
      %add3A_743 = arith.constant 36 : i32
      %add3A_744 = vector.broadcast %add3A_743 : i32 to vector<16xi32>
      %add3A_745 = arith.addi %add3A_742, %add3A_744 : vector<16xi32>
      %gather3A_746 = tpu.vector_load_idx %arg6[%add3A_745, %and3A_320, %add3A_735] : memref<64x8x128xf32, #tpu.memory_space<vmem>>[vector<16xi32>, vector<16xi32>, vector<16xi32>], vector<16xf32>,
      %mul3A_747 = arith.constant 0 : i32
      %mul3A_748 = vector.broadcast %mul3A_747 : i32 to vector<16xi32>
      %mul3A_749 = arith.muli %iota3A, %mul3A_748 : vector<16xi32>
      %mul3A_750 = arith.constant 16 : i32
      %mul3A_751 = arith.muli %scan3A_7, %mul3A_750 : i32
      %add3A_752 = arith.constant 9 : i32
      %add3A_753 = arith.addi %mul3A_751, %add3A_752 : i32
      %add3A_754 = vector.broadcast %add3A_753 : i32 to vector<16xi32>
      %add3A_755 = arith.addi %mul3A_749, %add3A_754 : vector<16xi32>
      tpu.vector_store_idx %arg7[%shift_right_arithmetic3A_317, %and3A_320, %add3A_755], %gather3A_739 : memref<4x8x512xf32, #tpu.memory_space<vmem>>[vector<16xi32>, vector<16xi32>, vector<16xi32>], vector<16xf32>,
      %add3A_756 = arith.constant 2 : i32
      %add3A_757 = vector.broadcast %add3A_756 : i32 to vector<16xi32>
      %add3A_758 = arith.addi %shift_right_arithmetic3A_317, %add3A_757 : vector<16xi32>
      tpu.vector_store_idx %arg7[%add3A_758, %and3A_320, %add3A_755], %gather3A_746 : memref<4x8x512xf32, #tpu.memory_space<vmem>>[vector<16xi32>, vector<16xi32>, vector<16xi32>], vector<16xf32>,
      %dma_wait3A_759 = arith.constant 40 : i32
      %dma_wait3A_760 = arith.constant 0 : i32
      %dma_wait3A_761 = arith.constant 0 : i32
      %dma_wait3A_762 = tpu.memref_slice %arg6[%dma_wait3A_759, %dma_wait3A_760, %dma_wait3A_761] : memref<64x8x128xf32, #tpu.memory_space<vmem>> -> memref<4x8x128xf32, #tpu.memory_space<vmem>>
      %dma_wait3A_763 = arith.constant 0 : i32
      %dma_wait3A_764 = arith.constant 0 : i32
      %dma_wait3A_765 = tpu.memref_slice %arg2[%dma_wait3A_763, %dma_wait3A_764, %multiple_of3A_205] : memref<4x8x1000000xf32, #tpu.memory_space<hbm>> -> memref<4x8x128xf32, #tpu.memory_space<hbm>>
      %dma_wait3A_766 = arith.constant 40 : i32
      %dma_wait3A_767 = arith.constant 0 : i32
      %dma_wait3A_768 = arith.constant 0 : i32
      %dma_wait3A_769 = tpu.memref_slice %arg6[%dma_wait3A_766, %dma_wait3A_767, %dma_wait3A_768] : memref<64x8x128xf32, #tpu.memory_space<vmem>> -> memref<4x8x128xf32, #tpu.memory_space<vmem>>
      %dma_wait3A_770 = arith.constant 0 : i32
      %dma_wait3A_771 = arith.constant 0 : i32
      %dma_wait3A_772 = tpu.memref_slice %arg2[%dma_wait3A_770, %dma_wait3A_771, %multiple_of3A_205] : memref<4x8x1000000xf32, #tpu.memory_space<hbm>> -> memref<4x8x128xf32, #tpu.memory_space<hbm>>
      tpu.wait_dma2 semaphore(%arg8 : memref<!tpu.dma_semaphore, #tpu.memory_space<semaphore_mem>>) src(%dma_wait3A_772 : memref<4x8x128xf32, #tpu.memory_space<hbm>>) dst(%dma_wait3A_769 : memref<4x8x128xf32, #tpu.memory_space<vmem>>)
      %mul3A_773 = arith.constant 0 : i32
      %mul3A_774 = vector.broadcast %mul3A_773 : i32 to vector<16xi32>
      %mul3A_775 = arith.muli %iota3A, %mul3A_774 : vector<16xi32>
      %slice3A_776 = vector.extract_strided_slice %and3A_14 {offsets = [10], sizes = [1], strides = [1]} : vector<16xi32> to vector<1xi32>
      %squeeze3A_777 = vector.extract %slice3A_776[0] : i32 from vector<1xi32>
      %add3A_778 = vector.broadcast %squeeze3A_777 : i32 to vector<16xi32>
      %add3A_779 = arith.addi %mul3A_775, %add3A_778 : vector<16xi32>
      %add3A_780 = arith.constant 40 : i32
      %add3A_781 = vector.broadcast %add3A_780 : i32 to vector<16xi32>
      %add3A_782 = arith.addi %shift_right_arithmetic3A_317, %add3A_781 : vector<16xi32>
      %gather3A_783 = tpu.vector_load_idx %arg6[%add3A_782, %and3A_320, %add3A_779] : memref<64x8x128xf32, #tpu.memory_space<vmem>>[vector<16xi32>, vector<16xi32>, vector<16xi32>], vector<16xf32>,
      %add3A_784 = arith.constant 2 : i32
      %add3A_785 = vector.broadcast %add3A_784 : i32 to vector<16xi32>
      %add3A_786 = arith.addi %shift_right_arithmetic3A_317, %add3A_785 : vector<16xi32>
      %add3A_787 = arith.constant 40 : i32
      %add3A_788 = vector.broadcast %add3A_787 : i32 to vector<16xi32>
      %add3A_789 = arith.addi %add3A_786, %add3A_788 : vector<16xi32>
      %gather3A_790 = tpu.vector_load_idx %arg6[%add3A_789, %and3A_320, %add3A_779] : memref<64x8x128xf32, #tpu.memory_space<vmem>>[vector<16xi32>, vector<16xi32>, vector<16xi32>], vector<16xf32>,
      %mul3A_791 = arith.constant 0 : i32
      %mul3A_792 = vector.broadcast %mul3A_791 : i32 to vector<16xi32>
      %mul3A_793 = arith.muli %iota3A, %mul3A_792 : vector<16xi32>
      %mul3A_794 = arith.constant 16 : i32
      %mul3A_795 = arith.muli %scan3A_7, %mul3A_794 : i32
      %add3A_796 = arith.constant 10 : i32
      %add3A_797 = arith.addi %mul3A_795, %add3A_796 : i32
      %add3A_798 = vector.broadcast %add3A_797 : i32 to vector<16xi32>
      %add3A_799 = arith.addi %mul3A_793, %add3A_798 : vector<16xi32>
      tpu.vector_store_idx %arg7[%shift_right_arithmetic3A_317, %and3A_320, %add3A_799], %gather3A_783 : memref<4x8x512xf32, #tpu.memory_space<vmem>>[vector<16xi32>, vector<16xi32>, vector<16xi32>], vector<16xf32>,
      %add3A_800 = arith.constant 2 : i32
      %add3A_801 = vector.broadcast %add3A_800 : i32 to vector<16xi32>
      %add3A_802 = arith.addi %shift_right_arithmetic3A_317, %add3A_801 : vector<16xi32>
      tpu.vector_store_idx %arg7[%add3A_802, %and3A_320, %add3A_799], %gather3A_790 : memref<4x8x512xf32, #tpu.memory_space<vmem>>[vector<16xi32>, vector<16xi32>, vector<16xi32>], vector<16xf32>,
      %dma_wait3A_803 = arith.constant 44 : i32
      %dma_wait3A_804 = arith.constant 0 : i32
      %dma_wait3A_805 = arith.constant 0 : i32
      %dma_wait3A_806 = tpu.memref_slice %arg6[%dma_wait3A_803, %dma_wait3A_804, %dma_wait3A_805] : memref<64x8x128xf32, #tpu.memory_space<vmem>> -> memref<4x8x128xf32, #tpu.memory_space<vmem>>
      %dma_wait3A_807 = arith.constant 0 : i32
      %dma_wait3A_808 = arith.constant 0 : i32
      %dma_wait3A_809 = tpu.memref_slice %arg2[%dma_wait3A_807, %dma_wait3A_808, %multiple_of3A_224] : memref<4x8x1000000xf32, #tpu.memory_space<hbm>> -> memref<4x8x128xf32, #tpu.memory_space<hbm>>
      %dma_wait3A_810 = arith.constant 44 : i32
      %dma_wait3A_811 = arith.constant 0 : i32
      %dma_wait3A_812 = arith.constant 0 : i32
      %dma_wait3A_813 = tpu.memref_slice %arg6[%dma_wait3A_810, %dma_wait3A_811, %dma_wait3A_812] : memref<64x8x128xf32, #tpu.memory_space<vmem>> -> memref<4x8x128xf32, #tpu.memory_space<vmem>>
      %dma_wait3A_814 = arith.constant 0 : i32
      %dma_wait3A_815 = arith.constant 0 : i32
      %dma_wait3A_816 = tpu.memref_slice %arg2[%dma_wait3A_814, %dma_wait3A_815, %multiple_of3A_224] : memref<4x8x1000000xf32, #tpu.memory_space<hbm>> -> memref<4x8x128xf32, #tpu.memory_space<hbm>>
      tpu.wait_dma2 semaphore(%arg8 : memref<!tpu.dma_semaphore, #tpu.memory_space<semaphore_mem>>) src(%dma_wait3A_816 : memref<4x8x128xf32, #tpu.memory_space<hbm>>) dst(%dma_wait3A_813 : memref<4x8x128xf32, #tpu.memory_space<vmem>>)
      %mul3A_817 = arith.constant 0 : i32
      %mul3A_818 = vector.broadcast %mul3A_817 : i32 to vector<16xi32>
      %mul3A_819 = arith.muli %iota3A, %mul3A_818 : vector<16xi32>
      %slice3A_820 = vector.extract_strided_slice %and3A_14 {offsets = [11], sizes = [1], strides = [1]} : vector<16xi32> to vector<1xi32>
      %squeeze3A_821 = vector.extract %slice3A_820[0] : i32 from vector<1xi32>
      %add3A_822 = vector.broadcast %squeeze3A_821 : i32 to vector<16xi32>
      %add3A_823 = arith.addi %mul3A_819, %add3A_822 : vector<16xi32>
      %add3A_824 = arith.constant 44 : i32
      %add3A_825 = vector.broadcast %add3A_824 : i32 to vector<16xi32>
      %add3A_826 = arith.addi %shift_right_arithmetic3A_317, %add3A_825 : vector<16xi32>
      %gather3A_827 = tpu.vector_load_idx %arg6[%add3A_826, %and3A_320, %add3A_823] : memref<64x8x128xf32, #tpu.memory_space<vmem>>[vector<16xi32>, vector<16xi32>, vector<16xi32>], vector<16xf32>,
      %add3A_828 = arith.constant 2 : i32
      %add3A_829 = vector.broadcast %add3A_828 : i32 to vector<16xi32>
      %add3A_830 = arith.addi %shift_right_arithmetic3A_317, %add3A_829 : vector<16xi32>
      %add3A_831 = arith.constant 44 : i32
      %add3A_832 = vector.broadcast %add3A_831 : i32 to vector<16xi32>
      %add3A_833 = arith.addi %add3A_830, %add3A_832 : vector<16xi32>
      %gather3A_834 = tpu.vector_load_idx %arg6[%add3A_833, %and3A_320, %add3A_823] : memref<64x8x128xf32, #tpu.memory_space<vmem>>[vector<16xi32>, vector<16xi32>, vector<16xi32>], vector<16xf32>,
      %mul3A_835 = arith.constant 0 : i32
      %mul3A_836 = vector.broadcast %mul3A_835 : i32 to vector<16xi32>
      %mul3A_837 = arith.muli %iota3A, %mul3A_836 : vector<16xi32>
      %mul3A_838 = arith.constant 16 : i32
      %mul3A_839 = arith.muli %scan3A_7, %mul3A_838 : i32
      %add3A_840 = arith.constant 11 : i32
      %add3A_841 = arith.addi %mul3A_839, %add3A_840 : i32
      %add3A_842 = vector.broadcast %add3A_841 : i32 to vector<16xi32>
      %add3A_843 = arith.addi %mul3A_837, %add3A_842 : vector<16xi32>
      tpu.vector_store_idx %arg7[%shift_right_arithmetic3A_317, %and3A_320, %add3A_843], %gather3A_827 : memref<4x8x512xf32, #tpu.memory_space<vmem>>[vector<16xi32>, vector<16xi32>, vector<16xi32>], vector<16xf32>,
      %add3A_844 = arith.constant 2 : i32
      %add3A_845 = vector.broadcast %add3A_844 : i32 to vector<16xi32>
      %add3A_846 = arith.addi %shift_right_arithmetic3A_317, %add3A_845 : vector<16xi32>
      tpu.vector_store_idx %arg7[%add3A_846, %and3A_320, %add3A_843], %gather3A_834 : memref<4x8x512xf32, #tpu.memory_space<vmem>>[vector<16xi32>, vector<16xi32>, vector<16xi32>], vector<16xf32>,
      %dma_wait3A_847 = arith.constant 48 : i32
      %dma_wait3A_848 = arith.constant 0 : i32
      %dma_wait3A_849 = arith.constant 0 : i32
      %dma_wait3A_850 = tpu.memref_slice %arg6[%dma_wait3A_847, %dma_wait3A_848, %dma_wait3A_849] : memref<64x8x128xf32, #tpu.memory_space<vmem>> -> memref<4x8x128xf32, #tpu.memory_space<vmem>>
      %dma_wait3A_851 = arith.constant 0 : i32
      %dma_wait3A_852 = arith.constant 0 : i32
      %dma_wait3A_853 = tpu.memref_slice %arg2[%dma_wait3A_851, %dma_wait3A_852, %multiple_of3A_243] : memref<4x8x1000000xf32, #tpu.memory_space<hbm>> -> memref<4x8x128xf32, #tpu.memory_space<hbm>>
      %dma_wait3A_854 = arith.constant 48 : i32
      %dma_wait3A_855 = arith.constant 0 : i32
      %dma_wait3A_856 = arith.constant 0 : i32
      %dma_wait3A_857 = tpu.memref_slice %arg6[%dma_wait3A_854, %dma_wait3A_855, %dma_wait3A_856] : memref<64x8x128xf32, #tpu.memory_space<vmem>> -> memref<4x8x128xf32, #tpu.memory_space<vmem>>
      %dma_wait3A_858 = arith.constant 0 : i32
      %dma_wait3A_859 = arith.constant 0 : i32
      %dma_wait3A_860 = tpu.memref_slice %arg2[%dma_wait3A_858, %dma_wait3A_859, %multiple_of3A_243] : memref<4x8x1000000xf32, #tpu.memory_space<hbm>> -> memref<4x8x128xf32, #tpu.memory_space<hbm>>
      tpu.wait_dma2 semaphore(%arg8 : memref<!tpu.dma_semaphore, #tpu.memory_space<semaphore_mem>>) src(%dma_wait3A_860 : memref<4x8x128xf32, #tpu.memory_space<hbm>>) dst(%dma_wait3A_857 : memref<4x8x128xf32, #tpu.memory_space<vmem>>)
      %mul3A_861 = arith.constant 0 : i32
      %mul3A_862 = vector.broadcast %mul3A_861 : i32 to vector<16xi32>
      %mul3A_863 = arith.muli %iota3A, %mul3A_862 : vector<16xi32>
      %slice3A_864 = vector.extract_strided_slice %and3A_14 {offsets = [12], sizes = [1], strides = [1]} : vector<16xi32> to vector<1xi32>
      %squeeze3A_865 = vector.extract %slice3A_864[0] : i32 from vector<1xi32>
      %add3A_866 = vector.broadcast %squeeze3A_865 : i32 to vector<16xi32>
      %add3A_867 = arith.addi %mul3A_863, %add3A_866 : vector<16xi32>
      %add3A_868 = arith.constant 48 : i32
      %add3A_869 = vector.broadcast %add3A_868 : i32 to vector<16xi32>
      %add3A_870 = arith.addi %shift_right_arithmetic3A_317, %add3A_869 : vector<16xi32>
      %gather3A_871 = tpu.vector_load_idx %arg6[%add3A_870, %and3A_320, %add3A_867] : memref<64x8x128xf32, #tpu.memory_space<vmem>>[vector<16xi32>, vector<16xi32>, vector<16xi32>], vector<16xf32>,
      %add3A_872 = arith.constant 2 : i32
      %add3A_873 = vector.broadcast %add3A_872 : i32 to vector<16xi32>
      %add3A_874 = arith.addi %shift_right_arithmetic3A_317, %add3A_873 : vector<16xi32>
      %add3A_875 = arith.constant 48 : i32
      %add3A_876 = vector.broadcast %add3A_875 : i32 to vector<16xi32>
      %add3A_877 = arith.addi %add3A_874, %add3A_876 : vector<16xi32>
      %gather3A_878 = tpu.vector_load_idx %arg6[%add3A_877, %and3A_320, %add3A_867] : memref<64x8x128xf32, #tpu.memory_space<vmem>>[vector<16xi32>, vector<16xi32>, vector<16xi32>], vector<16xf32>,
      %mul3A_879 = arith.constant 0 : i32
      %mul3A_880 = vector.broadcast %mul3A_879 : i32 to vector<16xi32>
      %mul3A_881 = arith.muli %iota3A, %mul3A_880 : vector<16xi32>
      %mul3A_882 = arith.constant 16 : i32
      %mul3A_883 = arith.muli %scan3A_7, %mul3A_882 : i32
      %add3A_884 = arith.constant 12 : i32
      %add3A_885 = arith.addi %mul3A_883, %add3A_884 : i32
      %add3A_886 = vector.broadcast %add3A_885 : i32 to vector<16xi32>
      %add3A_887 = arith.addi %mul3A_881, %add3A_886 : vector<16xi32>
      tpu.vector_store_idx %arg7[%shift_right_arithmetic3A_317, %and3A_320, %add3A_887], %gather3A_871 : memref<4x8x512xf32, #tpu.memory_space<vmem>>[vector<16xi32>, vector<16xi32>, vector<16xi32>], vector<16xf32>,
      %add3A_888 = arith.constant 2 : i32
      %add3A_889 = vector.broadcast %add3A_888 : i32 to vector<16xi32>
      %add3A_890 = arith.addi %shift_right_arithmetic3A_317, %add3A_889 : vector<16xi32>
      tpu.vector_store_idx %arg7[%add3A_890, %and3A_320, %add3A_887], %gather3A_878 : memref<4x8x512xf32, #tpu.memory_space<vmem>>[vector<16xi32>, vector<16xi32>, vector<16xi32>], vector<16xf32>,
      %dma_wait3A_891 = arith.constant 52 : i32
      %dma_wait3A_892 = arith.constant 0 : i32
      %dma_wait3A_893 = arith.constant 0 : i32
      %dma_wait3A_894 = tpu.memref_slice %arg6[%dma_wait3A_891, %dma_wait3A_892, %dma_wait3A_893] : memref<64x8x128xf32, #tpu.memory_space<vmem>> -> memref<4x8x128xf32, #tpu.memory_space<vmem>>
      %dma_wait3A_895 = arith.constant 0 : i32
      %dma_wait3A_896 = arith.constant 0 : i32
      %dma_wait3A_897 = tpu.memref_slice %arg2[%dma_wait3A_895, %dma_wait3A_896, %multiple_of3A_262] : memref<4x8x1000000xf32, #tpu.memory_space<hbm>> -> memref<4x8x128xf32, #tpu.memory_space<hbm>>
      %dma_wait3A_898 = arith.constant 52 : i32
      %dma_wait3A_899 = arith.constant 0 : i32
      %dma_wait3A_900 = arith.constant 0 : i32
      %dma_wait3A_901 = tpu.memref_slice %arg6[%dma_wait3A_898, %dma_wait3A_899, %dma_wait3A_900] : memref<64x8x128xf32, #tpu.memory_space<vmem>> -> memref<4x8x128xf32, #tpu.memory_space<vmem>>
      %dma_wait3A_902 = arith.constant 0 : i32
      %dma_wait3A_903 = arith.constant 0 : i32
      %dma_wait3A_904 = tpu.memref_slice %arg2[%dma_wait3A_902, %dma_wait3A_903, %multiple_of3A_262] : memref<4x8x1000000xf32, #tpu.memory_space<hbm>> -> memref<4x8x128xf32, #tpu.memory_space<hbm>>
      tpu.wait_dma2 semaphore(%arg8 : memref<!tpu.dma_semaphore, #tpu.memory_space<semaphore_mem>>) src(%dma_wait3A_904 : memref<4x8x128xf32, #tpu.memory_space<hbm>>) dst(%dma_wait3A_901 : memref<4x8x128xf32, #tpu.memory_space<vmem>>)
      %mul3A_905 = arith.constant 0 : i32
      %mul3A_906 = vector.broadcast %mul3A_905 : i32 to vector<16xi32>
      %mul3A_907 = arith.muli %iota3A, %mul3A_906 : vector<16xi32>
      %slice3A_908 = vector.extract_strided_slice %and3A_14 {offsets = [13], sizes = [1], strides = [1]} : vector<16xi32> to vector<1xi32>
      %squeeze3A_909 = vector.extract %slice3A_908[0] : i32 from vector<1xi32>
      %add3A_910 = vector.broadcast %squeeze3A_909 : i32 to vector<16xi32>
      %add3A_911 = arith.addi %mul3A_907, %add3A_910 : vector<16xi32>
      %add3A_912 = arith.constant 52 : i32
      %add3A_913 = vector.broadcast %add3A_912 : i32 to vector<16xi32>
      %add3A_914 = arith.addi %shift_right_arithmetic3A_317, %add3A_913 : vector<16xi32>
      %gather3A_915 = tpu.vector_load_idx %arg6[%add3A_914, %and3A_320, %add3A_911] : memref<64x8x128xf32, #tpu.memory_space<vmem>>[vector<16xi32>, vector<16xi32>, vector<16xi32>], vector<16xf32>,
      %add3A_916 = arith.constant 2 : i32
      %add3A_917 = vector.broadcast %add3A_916 : i32 to vector<16xi32>
      %add3A_918 = arith.addi %shift_right_arithmetic3A_317, %add3A_917 : vector<16xi32>
      %add3A_919 = arith.constant 52 : i32
      %add3A_920 = vector.broadcast %add3A_919 : i32 to vector<16xi32>
      %add3A_921 = arith.addi %add3A_918, %add3A_920 : vector<16xi32>
      %gather3A_922 = tpu.vector_load_idx %arg6[%add3A_921, %and3A_320, %add3A_911] : memref<64x8x128xf32, #tpu.memory_space<vmem>>[vector<16xi32>, vector<16xi32>, vector<16xi32>], vector<16xf32>,
      %mul3A_923 = arith.constant 0 : i32
      %mul3A_924 = vector.broadcast %mul3A_923 : i32 to vector<16xi32>
      %mul3A_925 = arith.muli %iota3A, %mul3A_924 : vector<16xi32>
      %mul3A_926 = arith.constant 16 : i32
      %mul3A_927 = arith.muli %scan3A_7, %mul3A_926 : i32
      %add3A_928 = arith.constant 13 : i32
      %add3A_929 = arith.addi %mul3A_927, %add3A_928 : i32
      %add3A_930 = vector.broadcast %add3A_929 : i32 to vector<16xi32>
      %add3A_931 = arith.addi %mul3A_925, %add3A_930 : vector<16xi32>
      tpu.vector_store_idx %arg7[%shift_right_arithmetic3A_317, %and3A_320, %add3A_931], %gather3A_915 : memref<4x8x512xf32, #tpu.memory_space<vmem>>[vector<16xi32>, vector<16xi32>, vector<16xi32>], vector<16xf32>,
      %add3A_932 = arith.constant 2 : i32
      %add3A_933 = vector.broadcast %add3A_932 : i32 to vector<16xi32>
      %add3A_934 = arith.addi %shift_right_arithmetic3A_317, %add3A_933 : vector<16xi32>
      tpu.vector_store_idx %arg7[%add3A_934, %and3A_320, %add3A_931], %gather3A_922 : memref<4x8x512xf32, #tpu.memory_space<vmem>>[vector<16xi32>, vector<16xi32>, vector<16xi32>], vector<16xf32>,
      %dma_wait3A_935 = arith.constant 56 : i32
      %dma_wait3A_936 = arith.constant 0 : i32
      %dma_wait3A_937 = arith.constant 0 : i32
      %dma_wait3A_938 = tpu.memref_slice %arg6[%dma_wait3A_935, %dma_wait3A_936, %dma_wait3A_937] : memref<64x8x128xf32, #tpu.memory_space<vmem>> -> memref<4x8x128xf32, #tpu.memory_space<vmem>>
      %dma_wait3A_939 = arith.constant 0 : i32
      %dma_wait3A_940 = arith.constant 0 : i32
      %dma_wait3A_941 = tpu.memref_slice %arg2[%dma_wait3A_939, %dma_wait3A_940, %multiple_of3A_281] : memref<4x8x1000000xf32, #tpu.memory_space<hbm>> -> memref<4x8x128xf32, #tpu.memory_space<hbm>>
      %dma_wait3A_942 = arith.constant 56 : i32
      %dma_wait3A_943 = arith.constant 0 : i32
      %dma_wait3A_944 = arith.constant 0 : i32
      %dma_wait3A_945 = tpu.memref_slice %arg6[%dma_wait3A_942, %dma_wait3A_943, %dma_wait3A_944] : memref<64x8x128xf32, #tpu.memory_space<vmem>> -> memref<4x8x128xf32, #tpu.memory_space<vmem>>
      %dma_wait3A_946 = arith.constant 0 : i32
      %dma_wait3A_947 = arith.constant 0 : i32
      %dma_wait3A_948 = tpu.memref_slice %arg2[%dma_wait3A_946, %dma_wait3A_947, %multiple_of3A_281] : memref<4x8x1000000xf32, #tpu.memory_space<hbm>> -> memref<4x8x128xf32, #tpu.memory_space<hbm>>
      tpu.wait_dma2 semaphore(%arg8 : memref<!tpu.dma_semaphore, #tpu.memory_space<semaphore_mem>>) src(%dma_wait3A_948 : memref<4x8x128xf32, #tpu.memory_space<hbm>>) dst(%dma_wait3A_945 : memref<4x8x128xf32, #tpu.memory_space<vmem>>)
      %mul3A_949 = arith.constant 0 : i32
      %mul3A_950 = vector.broadcast %mul3A_949 : i32 to vector<16xi32>
      %mul3A_951 = arith.muli %iota3A, %mul3A_950 : vector<16xi32>
      %slice3A_952 = vector.extract_strided_slice %and3A_14 {offsets = [14], sizes = [1], strides = [1]} : vector<16xi32> to vector<1xi32>
      %squeeze3A_953 = vector.extract %slice3A_952[0] : i32 from vector<1xi32>
      %add3A_954 = vector.broadcast %squeeze3A_953 : i32 to vector<16xi32>
      %add3A_955 = arith.addi %mul3A_951, %add3A_954 : vector<16xi32>
      %add3A_956 = arith.constant 56 : i32
      %add3A_957 = vector.broadcast %add3A_956 : i32 to vector<16xi32>
      %add3A_958 = arith.addi %shift_right_arithmetic3A_317, %add3A_957 : vector<16xi32>
      %gather3A_959 = tpu.vector_load_idx %arg6[%add3A_958, %and3A_320, %add3A_955] : memref<64x8x128xf32, #tpu.memory_space<vmem>>[vector<16xi32>, vector<16xi32>, vector<16xi32>], vector<16xf32>,
      %add3A_960 = arith.constant 2 : i32
      %add3A_961 = vector.broadcast %add3A_960 : i32 to vector<16xi32>
      %add3A_962 = arith.addi %shift_right_arithmetic3A_317, %add3A_961 : vector<16xi32>
      %add3A_963 = arith.constant 56 : i32
      %add3A_964 = vector.broadcast %add3A_963 : i32 to vector<16xi32>
      %add3A_965 = arith.addi %add3A_962, %add3A_964 : vector<16xi32>
      %gather3A_966 = tpu.vector_load_idx %arg6[%add3A_965, %and3A_320, %add3A_955] : memref<64x8x128xf32, #tpu.memory_space<vmem>>[vector<16xi32>, vector<16xi32>, vector<16xi32>], vector<16xf32>,
      %mul3A_967 = arith.constant 0 : i32
      %mul3A_968 = vector.broadcast %mul3A_967 : i32 to vector<16xi32>
      %mul3A_969 = arith.muli %iota3A, %mul3A_968 : vector<16xi32>
      %mul3A_970 = arith.constant 16 : i32
      %mul3A_971 = arith.muli %scan3A_7, %mul3A_970 : i32
      %add3A_972 = arith.constant 14 : i32
      %add3A_973 = arith.addi %mul3A_971, %add3A_972 : i32
      %add3A_974 = vector.broadcast %add3A_973 : i32 to vector<16xi32>
      %add3A_975 = arith.addi %mul3A_969, %add3A_974 : vector<16xi32>
      tpu.vector_store_idx %arg7[%shift_right_arithmetic3A_317, %and3A_320, %add3A_975], %gather3A_959 : memref<4x8x512xf32, #tpu.memory_space<vmem>>[vector<16xi32>, vector<16xi32>, vector<16xi32>], vector<16xf32>,
      %add3A_976 = arith.constant 2 : i32
      %add3A_977 = vector.broadcast %add3A_976 : i32 to vector<16xi32>
      %add3A_978 = arith.addi %shift_right_arithmetic3A_317, %add3A_977 : vector<16xi32>
      tpu.vector_store_idx %arg7[%add3A_978, %and3A_320, %add3A_975], %gather3A_966 : memref<4x8x512xf32, #tpu.memory_space<vmem>>[vector<16xi32>, vector<16xi32>, vector<16xi32>], vector<16xf32>,
      %dma_wait3A_979 = arith.constant 60 : i32
      %dma_wait3A_980 = arith.constant 0 : i32
      %dma_wait3A_981 = arith.constant 0 : i32
      %dma_wait3A_982 = tpu.memref_slice %arg6[%dma_wait3A_979, %dma_wait3A_980, %dma_wait3A_981] : memref<64x8x128xf32, #tpu.memory_space<vmem>> -> memref<4x8x128xf32, #tpu.memory_space<vmem>>
      %dma_wait3A_983 = arith.constant 0 : i32
      %dma_wait3A_984 = arith.constant 0 : i32
      %dma_wait3A_985 = tpu.memref_slice %arg2[%dma_wait3A_983, %dma_wait3A_984, %multiple_of3A_300] : memref<4x8x1000000xf32, #tpu.memory_space<hbm>> -> memref<4x8x128xf32, #tpu.memory_space<hbm>>
      %dma_wait3A_986 = arith.constant 60 : i32
      %dma_wait3A_987 = arith.constant 0 : i32
      %dma_wait3A_988 = arith.constant 0 : i32
      %dma_wait3A_989 = tpu.memref_slice %arg6[%dma_wait3A_986, %dma_wait3A_987, %dma_wait3A_988] : memref<64x8x128xf32, #tpu.memory_space<vmem>> -> memref<4x8x128xf32, #tpu.memory_space<vmem>>
      %dma_wait3A_990 = arith.constant 0 : i32
      %dma_wait3A_991 = arith.constant 0 : i32
      %dma_wait3A_992 = tpu.memref_slice %arg2[%dma_wait3A_990, %dma_wait3A_991, %multiple_of3A_300] : memref<4x8x1000000xf32, #tpu.memory_space<hbm>> -> memref<4x8x128xf32, #tpu.memory_space<hbm>>
      tpu.wait_dma2 semaphore(%arg8 : memref<!tpu.dma_semaphore, #tpu.memory_space<semaphore_mem>>) src(%dma_wait3A_992 : memref<4x8x128xf32, #tpu.memory_space<hbm>>) dst(%dma_wait3A_989 : memref<4x8x128xf32, #tpu.memory_space<vmem>>)
      %mul3A_993 = arith.constant 0 : i32
      %mul3A_994 = vector.broadcast %mul3A_993 : i32 to vector<16xi32>
      %mul3A_995 = arith.muli %iota3A, %mul3A_994 : vector<16xi32>
      %slice3A_996 = vector.extract_strided_slice %and3A_14 {offsets = [15], sizes = [1], strides = [1]} : vector<16xi32> to vector<1xi32>
      %squeeze3A_997 = vector.extract %slice3A_996[0] : i32 from vector<1xi32>
      %add3A_998 = vector.broadcast %squeeze3A_997 : i32 to vector<16xi32>
      %add3A_999 = arith.addi %mul3A_995, %add3A_998 : vector<16xi32>
      %add3A_1000 = arith.constant 60 : i32
      %add3A_1001 = vector.broadcast %add3A_1000 : i32 to vector<16xi32>
      %add3A_1002 = arith.addi %shift_right_arithmetic3A_317, %add3A_1001 : vector<16xi32>
      %gather3A_1003 = tpu.vector_load_idx %arg6[%add3A_1002, %and3A_320, %add3A_999] : memref<64x8x128xf32, #tpu.memory_space<vmem>>[vector<16xi32>, vector<16xi32>, vector<16xi32>], vector<16xf32>,
      %add3A_1004 = arith.constant 2 : i32
      %add3A_1005 = vector.broadcast %add3A_1004 : i32 to vector<16xi32>
      %add3A_1006 = arith.addi %shift_right_arithmetic3A_317, %add3A_1005 : vector<16xi32>
      %add3A_1007 = arith.constant 60 : i32
      %add3A_1008 = vector.broadcast %add3A_1007 : i32 to vector<16xi32>
      %add3A_1009 = arith.addi %add3A_1006, %add3A_1008 : vector<16xi32>
      %gather3A_1010 = tpu.vector_load_idx %arg6[%add3A_1009, %and3A_320, %add3A_999] : memref<64x8x128xf32, #tpu.memory_space<vmem>>[vector<16xi32>, vector<16xi32>, vector<16xi32>], vector<16xf32>,
      %mul3A_1011 = arith.constant 0 : i32
      %mul3A_1012 = vector.broadcast %mul3A_1011 : i32 to vector<16xi32>
      %mul3A_1013 = arith.muli %iota3A, %mul3A_1012 : vector<16xi32>
      %mul3A_1014 = arith.constant 16 : i32
      %mul3A_1015 = arith.muli %scan3A_7, %mul3A_1014 : i32
      %add3A_1016 = arith.constant 15 : i32
      %add3A_1017 = arith.addi %mul3A_1015, %add3A_1016 : i32
      %add3A_1018 = vector.broadcast %add3A_1017 : i32 to vector<16xi32>
      %add3A_1019 = arith.addi %mul3A_1013, %add3A_1018 : vector<16xi32>
      tpu.vector_store_idx %arg7[%shift_right_arithmetic3A_317, %and3A_320, %add3A_1019], %gather3A_1003 : memref<4x8x512xf32, #tpu.memory_space<vmem>>[vector<16xi32>, vector<16xi32>, vector<16xi32>], vector<16xf32>,
      %add3A_1020 = arith.constant 2 : i32
      %add3A_1021 = vector.broadcast %add3A_1020 : i32 to vector<16xi32>
      %add3A_1022 = arith.addi %shift_right_arithmetic3A_317, %add3A_1021 : vector<16xi32>
      tpu.vector_store_idx %arg7[%add3A_1022, %and3A_320, %add3A_1019], %gather3A_1010 : memref<4x8x512xf32, #tpu.memory_space<vmem>>[vector<16xi32>, vector<16xi32>, vector<16xi32>], vector<16xf32>,
    }
    %scan3A_6 = arith.constant 32 : i32
    "tpu.region"() ({
      %run_scoped3A = tpu.sem_alloc : memref<!tpu.dma_semaphore, #tpu.memory_space<semaphore_mem>>
      %dma_start3A = arith.constant 0 : i32
      %dma_start3A_7 = arith.constant 0 : i32
      %dma_start3A_8 = tpu.memref_slice %arg4[%dma_start3A, %dma_start3A_7, %mul3A_2] : memref<4x8x16384xf32, #tpu.memory_space<hbm>> -> memref<4x8x512xf32, #tpu.memory_space<hbm>>
      %dma_start3A_9 = arith.constant 0 : i32
      %dma_start3A_10 = arith.constant 0 : i32
      %dma_start3A_11 = tpu.memref_slice %arg4[%dma_start3A_9, %dma_start3A_10, %mul3A_2] : memref<4x8x16384xf32, #tpu.memory_space<hbm>> -> memref<4x8x512xf32, #tpu.memory_space<hbm>>
      tpu.enqueue_dma source(%arg7 : memref<4x8x512xf32, #tpu.memory_space<vmem>>) target(%dma_start3A_11 : memref<4x8x512xf32, #tpu.memory_space<hbm>>) target_semaphore(%run_scoped3A : memref<!tpu.dma_semaphore, #tpu.memory_space<semaphore_mem>>)
      %dma_wait3A = arith.constant 0 : i32
      %dma_wait3A_12 = arith.constant 0 : i32
      %dma_wait3A_13 = tpu.memref_slice %arg4[%dma_wait3A, %dma_wait3A_12, %mul3A_2] : memref<4x8x16384xf32, #tpu.memory_space<hbm>> -> memref<4x8x512xf32, #tpu.memory_space<hbm>>
      %dma_wait3A_14 = arith.constant 0 : i32
      %dma_wait3A_15 = arith.constant 0 : i32
      %dma_wait3A_16 = tpu.memref_slice %arg4[%dma_wait3A_14, %dma_wait3A_15, %mul3A_2] : memref<4x8x16384xf32, #tpu.memory_space<hbm>> -> memref<4x8x512xf32, #tpu.memory_space<hbm>>
      tpu.wait_dma2 semaphore(%run_scoped3A : memref<!tpu.dma_semaphore, #tpu.memory_space<semaphore_mem>>) src(%arg7 : memref<4x8x512xf32, #tpu.memory_space<vmem>>) dst(%dma_wait3A_16 : memref<4x8x512xf32, #tpu.memory_space<hbm>>)
      tpu.yield
    }) : () -> ()
    return
  }
}

module attributes {stable_mosaic.version = 14 : i64} {
  func.func @_tc_matmul_body(%arg0: memref<32x128xf32, #tpu.memory_space<vmem>>, %arg1: memref<16384x128xf32, #tpu.memory_space<vmem>>, %arg2: memref<32x1xf32, #tpu.memory_space<vmem>>, %arg3: memref<32x16384xf32, #tpu.memory_space<vmem>>) attributes {dimension_semantics = [], scalar_prefetch = 0 : i64, scratch_operands = 0 : i64, tpu.core_type = #tpu.core_type<tc>} {
    %get3A = arith.constant 0 : index
    %get3A_0 = arith.constant 0 : index
    %get3A_1 = vector.load %arg0[%get3A, %get3A_0] : memref<32x128xf32, #tpu.memory_space<vmem>>, vector<32x128xf32>
    %get3A_2 = arith.constant 0 : index
    %get3A_3 = arith.constant 0 : index
    %get3A_4 = vector.load %arg1[%get3A_2, %get3A_3] : memref<16384x128xf32, #tpu.memory_space<vmem>>, vector<16384x128xf32>
    %dot_general3A = arith.constant dense<0.000000e+00> : vector<32x16384xf32>
    %dot_general3A_5 = tpu.matmul %get3A_1, %get3A_4, %dot_general3A {dimension_numbers = #tpu.dot_dimension_numbers<[1], [1], [0], [0], [0, 0, 1, 0], [], []>, transpose_lhs_hint = false} : vector<32x128xf32>, vector<16384x128xf32>, vector<32x16384xf32> -> vector<32x16384xf32>
    %get3A_6 = arith.constant 0 : index
    %get3A_7 = arith.constant 0 : index
    %get3A_8 = vector.load %arg2[%get3A_6, %get3A_7] : memref<32x1xf32, #tpu.memory_space<vmem>>, vector<32x1xf32>
    %add3A = vector.broadcast %get3A_8 : vector<32x1xf32> to vector<32x16384xf32>
    %add3A_9 = arith.addf %dot_general3A_5, %add3A : vector<32x16384xf32>
    %swap3A = arith.constant 0 : index
    %swap3A_10 = arith.constant 0 : index
    %swap3A_11 = vector.load %arg3[%swap3A, %swap3A_10] : memref<32x16384xf32, #tpu.memory_space<vmem>>, vector<32x16384xf32>
    tpu.vector_store %arg3[%swap3A, %swap3A_10], %add3A_9 {strides = array<i32>} : memref<32x16384xf32, #tpu.memory_space<vmem>>, vector<32x16384xf32>,
    return
  }
}

module attributes {stable_mosaic.version = 14 : i64} {
  func.func @_tc_add_body(%arg0: memref<32x16384xf32, #tpu.memory_space<vmem>>, %arg1: memref<32x16384xf32, #tpu.memory_space<vmem>>, %arg2: memref<32x16384xf32, #tpu.memory_space<vmem>>) attributes {dimension_semantics = [], scalar_prefetch = 0 : i64, scratch_operands = 0 : i64, tpu.core_type = #tpu.core_type<tc>} {
    %get3A = arith.constant 0 : index
    %get3A_0 = arith.constant 0 : index
    %get3A_1 = vector.load %arg0[%get3A, %get3A_0] : memref<32x16384xf32, #tpu.memory_space<vmem>>, vector<32x16384xf32>
    %get3A_2 = arith.constant 0 : index
    %get3A_3 = arith.constant 0 : index
    %get3A_4 = vector.load %arg1[%get3A_2, %get3A_3] : memref<32x16384xf32, #tpu.memory_space<vmem>>, vector<32x16384xf32>
    %add3A = arith.addf %get3A_1, %get3A_4 : vector<32x16384xf32>
    %swap3A = arith.constant 0 : index
    %swap3A_5 = arith.constant 0 : index
    %swap3A_6 = vector.load %arg2[%swap3A, %swap3A_5] : memref<32x16384xf32, #tpu.memory_space<vmem>>, vector<32x16384xf32>
    tpu.vector_store %arg2[%swap3A, %swap3A_5], %add3A {strides = array<i32>} : memref<32x16384xf32, #tpu.memory_space<vmem>>, vector<32x16384xf32>,
    return
  }
}

</mosaic_0001>

<sc_bundles>
// kernel: kernel.5.cloned.1.call-start
scs
__scs_entry_jumppad:
0x0: {  	(pc) =	sbr.rel $0x88, $3  }
0x1: {  	(tag) =	ssettag $0x0;
	lr =	simm.s32 $0x1  }
0x2: {  	[smem:$0x3F9C] =	sst lr;
	_ =	strace $0xD0000000  }
0x3: {  	_ = 	snop  }
0x4: {  	_ = 	snop  }
0x5: {  	_ = 	snop  }
0x6: {  	_ = 	snop  }
0x7: {  	_ = 	snop  }
__scs_overlays_trampoline_lowered:
0x8: {  	[smem:$0x3FAB] =	sst s0  }
0x9: {  	[smem:$0x3FAC] =	sst s1  }
0xa: {  	[smem:$0x3FAD] =	sst s2  }
0xb: {  	[smem:$0x3FAE] =	sst s3  }
0xc: {  	[smem:$0x3FAF] =	sst s4  }
0xd: {  	[smem:$0x3FB0] =	sst s5  }
0xe: {  	[smem:$0x3FB1] =	sst s6  }
0xf: {  	[smem:$0x3FB2] =	sst s7  }
0x10: {  	[smem:$0x3FB3] =	sst s8  }
0x11: {  	[smem:$0x3FB4] =	sst s9;
	s0 =	simm.s32 @!p0 $0x0  }
0x12: {  	s1 =	sld [smem:$0x3F9A];
	s0 =	simm.s32 @p0 $0x1  }
0x13: {  	[smem:$0x3FB5] =	sst s0;
	s0 =	simm.s32 @!p1 $0x0  }
0x14: {  	s2 =	sld [smem:$0x3F99];
	s0 =	simm.s32 @p1 $0x1  }
0x15: {  	[smem:$0x3FB6] =	sst s0;
	s0 =	simm.s32 @!p2 $0x0  }
0x16: {  	s3 =	sld [smem:$0x3FDB];
	s0 =	simm.s32 @p2 $0x1  }
0x17: {  	s4 =	simm.s32 $0x1BF5;
	[smem:$0x3FB8] =	sst s0  }
0x18: {  	s0 =	sld [smem:$0x3F9B];
	_ =	swait.ge [sflag:s4], $0x0  }
0x19: {  	s7 =	sld [smem:$0x3F9C]  }
0x1a: {  	s8 =	sadd.s32 $0xFFFFE003, lr  }
0x1b: {  	s9 =	sadd.s32 $0xFFFFFEF7, lr;
	s5 =	simm.s32 $0xFFFFFFFF;
	p2 =	slt.u32 s8, $0xFFFFF086  }
0x1c: {  	p1 =	slt.u32 s9, $0xF7A;
	s5 =	simm.s32 @!p2 $0x0  }
0x1d: {  	s5 =	simm.s32 @p1 $0x1;
	p0 =	seq.s32 s7, s2  }
0x1e: {  	s7 =	smul.u32 @!p0 $0xF7A, s2;
	p2 =	seq.s32 @!p0 s5, $0x0  }
0x1f: {  	s9 =	smul.u32 $0xF7A, s1;
	s8 =	simm.s32 @!p0 $0x1BF5;
	p2 =	por !p2, p0  }
0x20: {  	[sflag:s8] =	ssyncset.s32 @!p0 $0xFFFFF086;
	s6 =	sadd.s32 @!p0 s3, s7;
	s7 =	simm.s32 @!p0 $0x108  }
0x21: {  	s3 =	sadd.s32 s3, s9;
	s6 =	sadd.s32 @!p0 $0x88, s6;
	s7 =	simm.s32 @p2 $0x1082  }
0x22: {  	[simem:s7], [sflag:s8] =	dma.local @!p0 [hbm:s6], $0xF7A  }
0x23: {  	s9 =	sor.u32 $0xD0000000, s2;
	s6 =	simm.s32 $0x108;
	_ =	swait.ge @!p0 [sflag:s8], $0x0  }
0x24: {  	s3 =	sadd.s32 $0x88, s3;
	s6 =	simm.s32 @!p1 $0x1082;
	[sflag:s4] =	ssyncset.s32 $0xFFFFF086  }
0x25: {  	[simem:s6], [sflag:s4] =	dma.local [hbm:s3], $0xF7A  }
0x26: {  	[smem:$0x3F9C] =	sst s1;
	(tag) =	ssettag s2;
	_ =	strace s9  }
0x27: {  	s1 =	sld [smem:$0x3FAC]  }
0x28: {  	s2 =	sld [smem:$0x3FAD]  }
0x29: {  	s4 =	sld [smem:$0x3FAF]  }
0x2a: {  	p0 =	seq.s32 s5, $0x0;
	s5 =	sld [smem:$0x3FB0]  }
0x2b: {  	s6 =	sld [smem:$0x3FB1]  }
0x2c: {  	s7 =	sld [smem:$0x3FB2]  }
0x2d: {  	s3 =	simm.s32 $0x108;
	s8 =	sld [smem:$0x3FB3]  }
0x2e: {  	s3 =	simm.s32 @!p0 $0x1082;
	s9 =	sld [smem:$0x3FB4]  }
0x2f: {  	lr =	sadd.s32 s0, s3;
	s0 =	sld [smem:$0x3FAB]  }
0x30: {  	s3 =	sld [smem:$0x3FAE]  }
0x31: {  	[smem:$0x3FB7] =	sst s10  }
0x32: {  	s10 =	sld [smem:$0x3FB5];
	_ =	sdelay $0x3  }
0x33: {  	p0 =	seq.s32 s10, $0x1;
	s10 =	sld [smem:$0x3FB7];
	_ =	sdelay $0x3  }
0x34: {  	[smem:$0x3FB7] =	sst s10  }
0x35: {  	s10 =	sld [smem:$0x3FB6];
	_ =	sdelay $0x3  }
0x36: {  	p1 =	seq.s32 s10, $0x1;
	s10 =	sld [smem:$0x3FB7];
	_ =	sdelay $0x3  }
0x37: {  	[smem:$0x3FB7] =	sst s10  }
0x38: {  	s10 =	sld [smem:$0x3FB8]  }
0x39: {  	_ = 	snop;
	(pc) =	sbr.ind lr, $3  }
0x3a: {  	_ = 	snop  }
0x3b: {  	_ = 	snop  }
0x3c: {  	p2 =	seq.s32 s10, $0x1;
	s10 =	sld [smem:$0x3FB7]  }
0x3d: {  	_ =	shalt  }
0x3e: {  	_ =	shalt  }
0x3f: {  	_ =	shalt  }
0x40: {  	_ =	shalt  }
0x41: {  	_ =	shalt  }
0x42: {  	_ =	shalt  }
0x43: {  	_ =	shalt  }
0x44: {  	_ =	shalt  }
0x45: {  	_ =	shalt  }
0x46: {  	_ =	shalt  }
0x47: {  	_ =	shalt  }
0x48: {  	_ =	shalt  }
0x49: {  	_ =	shalt  }
0x4a: {  	_ =	shalt  }
0x4b: {  	_ =	shalt  }
0x4c: {  	_ =	shalt  }
0x4d: {  	_ =	shalt  }
0x4e: {  	_ =	shalt  }
0x4f: {  	_ =	shalt  }
0x50: {  	_ =	shalt  }
0x51: {  	_ =	shalt  }
0x52: {  	_ =	shalt  }
0x53: {  	_ =	shalt  }
0x54: {  	_ =	shalt  }
0x55: {  	_ =	shalt  }
0x56: {  	_ =	shalt  }
0x57: {  	_ =	shalt  }
0x58: {  	_ =	shalt  }
0x59: {  	_ =	shalt  }
0x5a: {  	_ =	shalt  }
0x5b: {  	_ =	shalt  }
0x5c: {  	_ =	shalt  }
0x5d: {  	_ =	shalt  }
0x5e: {  	_ =	shalt  }
0x5f: {  	_ =	shalt  }
0x60: {  	_ =	shalt  }
0x61: {  	_ =	shalt  }
0x62: {  	_ =	shalt  }
0x63: {  	_ =	shalt  }
0x64: {  	_ =	shalt  }
0x65: {  	_ =	shalt  }
0x66: {  	_ =	shalt  }
0x67: {  	_ =	shalt  }
0x68: {  	_ =	shalt  }
0x69: {  	_ =	shalt  }
0x6a: {  	_ =	shalt  }
0x6b: {  	_ =	shalt  }
0x6c: {  	_ =	shalt  }
0x6d: {  	_ =	shalt  }
0x6e: {  	_ =	shalt  }
0x6f: {  	_ =	shalt  }
0x70: {  	_ =	shalt  }
0x71: {  	_ =	shalt  }
0x72: {  	_ =	shalt  }
0x73: {  	_ =	shalt  }
0x74: {  	_ =	shalt  }
0x75: {  	_ =	shalt  }
0x76: {  	_ =	shalt  }
0x77: {  	_ =	shalt  }
0x78: {  	_ =	shalt  }
0x79: {  	_ =	shalt  }
0x7a: {  	_ =	shalt  }
0x7b: {  	_ =	shalt  }
0x7c: {  	_ =	shalt  }
0x7d: {  	_ =	shalt  }
0x7e: {  	_ =	shalt  }
0x7f: {  	_ =	shalt  }
0x80: {  	_ =	shalt  }
0x81: {  	_ =	shalt  }
0x82: {  	_ =	shalt  }
0x83: {  	_ =	shalt  }
0x84: {  	_ =	shalt  }
0x85: {  	_ =	shalt  }
0x86: {  	_ =	shalt  }
0x87: {  	_ =	shalt  }
.Lfunc_end0:
.L_simem_size_0:
called_computation_lowered:
.L_overlay_start_0:
0x88: {  	s2 =	sld [smem:$0x3FD9]  }
0x89: {  	s3 =	sld [smem:$0x3FFE];
	_ =	sdelay $0x1  }
0x8a: {  	s1 =	srdreg.scid  }
0x8b: {  	s0 =	sand.u32 $0x1, s1  }
0x8c: {  	s18 =	sshll.u32 s0, $0xA;
	s2 =	sadd.s32 s3, s2  }
0x8d: {  	s2 =	sadd.s32 s2, s18  }
0x8e: {  	[smem:$0x3FC3] =	sst s2  }
0x8f: {  	_ = 	snop  }
0x90: {  	s2 =	sld [smem:$0x3FC8]  }
0x91: {  	s19 =	sld [smem:$0x3FC5]  }
0x92: {  	s4 =	sld [smem:$0x3FD0];
	(tm) =	ssettm $0x1  }
0x93: {  	s5 =	sld [smem:$0x3FFB];
	_ =	sdelay $0x3  }
0x94: {  	_ =	strace s5  }
0x95: {  	s5 =	sld [smem:$0x3FFC];
	_ =	sdelay $0x3  }
0x96: {  	_ =	strace s5  }
0x97: {  	s5 =	sld [smem:$0x3FFD];
	_ =	sdelay $0x3  }
0x98: {  	_ =	strace s5  }
0x99: {  	_ =	strace $0x8FFFFFFF  }
0x9a: {  	s20 =	sld [smem:$0x3FDB];
	_ =	sdelay $0x1  }
0x9b: {  	s6 =	simm.s32 $_scs_section_size  }
0x9c: {  	s7 =	simm.s32 $_size__tile_overlayer_lowered;
	s8 =	simm.s32 $_tile_overlayer_lowered  }
0x9d: {  	s23 =	simm.s32 $0x1BFF;
	s22 =	sshll.u32 s8, $0x1;
	s5 =	sadd.s32 s6, s20  }
0x9e: {  	s9 =	simm.s32 $0x0;
	s21 =	sshll.u32 s7, $0x1;
	s7 =	sadd.s32 s22, s5  }
0x9f: {  	[timem:s9], [sflag:s23] =	dma.local [hbm:s7], s21  }
0xa0: {  	_ =	swait.ge [sflag:s23], s21  }
0xa1: {  	s6 =	ssub.s32 $0x0, s21;
	[sflag:s23] =	ssyncset.done $0x0  }
0xa2: {  	[sflag:s23] =	ssyncadd.s32 s6;
	_ =	sdelay $0x1  }
0xa3: {  	s24 =	simm.s32 $0x1B8B  }
0xa4: {  	_ =	swait.ge [sflag:s24], $0x1  }
0xa5: {  	[sflag:s24] =	ssyncset.done $0x0  }
0xa6: {  	s25 =	simm.s32 $0x1B8E;
	[sflag:s24] =	ssyncadd.s32 $0xFFFFFFFF  }
0xa7: {  	s26 =	simm.s32 $execute0_lowered;
	[smem:$0x3FD2] =	sst s25  }
0xa8: {  	s6 =	sshll.u32 s26, $0x1;
	_ =	strace $0x80000046;
	[dreg:$0x1] =	wrdreg $0xFFFFFFFF  }
0xa9: {  	s28 =	simm.s32 $_size_execute0_lowered;
	s5 =	sadd.s32 s5, s6;
	[dreg:$0x0] =	wrdreg $0x0  }
0xaa: {  	s6 =	sshll.u32 s28, $0x1;
	[dreg:$0x2] =	wrdreg s5  }
0xab: {  	[dreg:$0x3] =	wrdreg s6  }
0xac: {  	[dreg:$0x4] =	wrdreg $0xC0  }
0xad: {  	_ =	task [dreg:s9], $0x5FFFF  }
0xae: {  	[dreg:$0x1] =	wrdreg $0xFFFFFFFF  }
0xaf: {  	[dreg:$0x0] =	wrdreg $0x60  }
0xb0: {  	[dreg:$0x2] =	wrdreg s19  }
0xb1: {  	[dreg:$0x3] =	wrdreg s2  }
0xb2: {  	[dreg:$0x4] =	wrdreg s4  }
0xb3: {  	[dreg:$0x5] =	wrdreg $0x9  }
0xb4: {  	_ =	task.clear_ibuf [dreg:s9], $0x6FFFF;
	_ =	strace $0x90000046  }
0xb5: {  	s29 =	simm.s32 $0x9;
	_ =	strace $0x80000048  }
0xb6: {  	_ =	swait.ge [sflag:s29], $0x1  }
0xb7: {  	[sflag:s29] =	ssyncadd.s32 $0xFFFFFFFF  }
0xb8: {  	_ =	strace $0x90000048  }
0xb9: {  	_ =	sfence  }
0xba: {  	s30 =	sld [smem:$0x0];
	_ =	sdelay $0x2  }
0xbb: {  	s31 =	sshll.u32 s1, $0xD;
	s1 =	sshrl.u32 s1, $0x2  }
0xbc: {  	s3 =	sand.u32 $0x4000, s31;
	s1 =	sadd.s32 s1, s30  }
0xbd: {  	s0 =	sor.u32 s3, s0;
	s1 =	sshll.u32 s1, $0x11  }
0xbe: {  	s0 =	sor.u32 s1, s0  }
0xbf: {  	s0 =	sadd.s32 $0x8F2B, s0  }
0xc0: {  	[sflag:s0] =	ssyncadd.remote.s32 $0x1  }
0xc1: {  	_ =	sfence.sel $0xFFFF  }
0xc2: {  	[dreg:$0x0] =	wrdreg $0xFFFFFFFF;
	(pc) =	sbr.abs _section_cstart, $3  }
0xc3: {  	[dreg:$0x1] =	wrdreg $0xFFFFFFFF  }
0xc4: {  	_ =	task.clear_ibuf [dreg:s9], $0x2FFFF;
	_ =	strace $0x9FFFFFFF  }
0xc5: {  	(tm) =	ssettm $0x7FFFFFFF  }
tec
execute0_lowered:
.L_overlay_start_1:
0x0: {  	(tag) =	ssettag $0x1  }
0x1: {  	v0 =	vlaneseq.u32;
	v1 =	vimm.s32 $0x1380  }
0x2: {  	vm0 =	vcmask $0x300;
	v2 =	vimm.s32 $0x3380;
	vm1 =	vcmask $0x704  }
0x3: {  	vm15 =	vcmask $0xB08;
	vm4 =	vcmask $0xF0C;
	vm5 =	vcmask $0x1310  }
0x4: {  	vm6 =	vcmask $0x1714;
	vm7 =	vcmask $0x1B18;
	vm8 =	vcmask $0x1F1C  }
0x5: {  	vm9 =	vcmask $0x2320;
	vm10 =	vcmask $0x2724;
	vm11 =	vcmask $0x2B28  }
0x6: {  	vm12 =	vcmask $0x2F2C;
	vm13 =	vcmask $0x3330;
	v1 =	vsel vm0, $0x0, v1  }
0x7: {  	s0 =	rddreg [dreg:$0x0];
	v0 =	vmul.u32 $0x80, v0;
	v2 =	vsel vm0, $0x2000, v2;
	v1 =	vsel vm1, $0x80, v1  }
0x8: {  	s4 =	rddreg [dreg:$0x1];
	vm14 =	vcmask $0x3734;
	v2 =	vsel vm1, $0x2080, v2;
	v1 =	vsel vm15, $0x100, v1  }
0x9: {  	s5 =	rddreg [dreg:$0x2];
	s1 =	simm.s32 $0x0;
	v2 =	vsel vm15, $0x2100, v2;
	vm15 =	vcmask $0x3B38;
	v5 =	vor.u32 $0x1800, v0  }
0xa: {  	s7 =	simm.s32 $0x1200;
	[smem:$0x7FF] =	sst s1;
	v6 =	vor.u32 $0x2000, v0;
	v7 =	vor.u32 $0x2800, v0;
	v8 =	vor.u32 $0x3000, v0  }
0xb: {  	s18 =	simm.s32 $0x2200;
	_ =	strace $0x80000047;
	[dreg:$0x4] =	wrdreg s7;
	v9 =	vor.u32 $0x3800, v0;
	v10 =	vor.u32 $0x4000, v0;
	v11 =	vor.u32 $0x4800, v0  }
0xc: {  	s19 =	simm.s32 $0x3200;
	[dreg:$0x5] =	wrdreg s18;
	v12 =	vor.u32 $0x5000, v0;
	v13 =	vor.u32 $0x5800, v0;
	v14 =	vor.u32 $0x6000, v0  }
0xd: {  	s6 =	srdreg.scid;
	s20 =	simm.s32 $0x4200;
	[dreg:$0x6] =	wrdreg s19;
	v15 =	vor.u32 $0x6800, v0;
	v16 =	vor.u32 $0x7000, v0;
	v17 =	vor.u32 $0x7800, v0  }
0xe: {  	s17 =	stileid.u32;
	s22 =	simm.s32 $0x5200;
	[dreg:$0x7] =	wrdreg s20;
	v18 =	vor.u32 $0x8000, v0;
	v19 =	vor.u32 $0x8800, v0;
	v20 =	vor.u32 $0x9000, v0  }
0xf: {  	s23 =	simm.s32 $0x6200;
	s24 =	simm.s32 $0x7200;
	[dreg:$0x8] =	wrdreg s22;
	v21 =	vor.u32 $0x9800, v0;
	v22 =	vor.u32 $0xA000, v0;
	v23 =	vor.u32 $0xA800, v0  }
0x10: {  	s25 =	simm.s32 $0x8200;
	s26 =	simm.s32 $0x9200;
	[dreg:$0x9] =	wrdreg s23;
	v24 =	vor.u32 $0xB000, v0;
	v1 =	vsel vm4, $0x180, v1;
	v2 =	vsel vm4, $0x2180, v2  }
0x11: {  	s28 =	simm.s32 $0xA200;
	s29 =	simm.s32 $0xB200;
	[dreg:$0xa] =	wrdreg s24;
	v25 =	vor.u32 $0xB800, v0;
	v1 =	vsel vm5, $0x200, v1;
	v2 =	vsel vm5, $0x2200, v2  }
0x12: {  	s30 =	simm.s32 $0xC200;
	s10 =	simm.s32 $0xD200;
	[dreg:$0xb] =	wrdreg s25;
	v26 =	vor.u32 $0xC000, v0;
	v1 =	vsel vm6, $0x280, v1;
	v2 =	vsel vm6, $0x2280, v2  }
0x13: {  	s11 =	simm.s32 $0xE200;
	s31 =	simm.s32 $0xF200;
	[dreg:$0xc] =	wrdreg s26;
	v27 =	vor.u32 $0xC800, v0;
	v1 =	vsel vm7, $0x300, v1;
	v2 =	vsel vm7, $0x2300, v2  }
0x14: {  	s12 =	simm.s32 $0x10200;
	s15 =	simm.s32 $0x0;
	[dreg:$0xd] =	wrdreg s28;
	v28 =	vor.u32 $0xD000, v0;
	v1 =	vsel vm8, $0x380, v1;
	v2 =	vsel vm8, $0x2380, v2  }
0x15: {  	s6 =	sand.u32 $0x1, s6;
	s21 =	sshll.u32 s17, $0xA;
	[dreg:$0xe] =	wrdreg s29;
	v29 =	vor.u32 $0xD800, v0;
	v1 =	vsel vm9, $0x1000, v1;
	v2 =	vsel vm9, $0x3000, v2  }
0x16: {  	s8 =	ssub.s32 $0x2, s6;
	s6 =	sshll.u32 s6, $0x9;
	[dreg:$0xf] =	wrdreg s30;
	v30 =	vor.u32 $0xE000, v0;
	v1 =	vsel vm10, $0x1080, v1;
	v2 =	vsel vm10, $0x3080, v2  }
0x17: {  	s7 =	simm.s32 $0x2;
	[dreg:$0x10] =	wrdreg s10;
	s10 =	simm.s32 $0x200;
	v31 =	vor.u32 $0xE800, v0;
	v1 =	vsel vm11, $0x1100, v1;
	v2 =	vsel vm11, $0x3100, v2  }
0x18: {  	[dreg:$0x11] =	wrdreg s11;
	s9 =	sshrl.u32 s8, $0x1;
	s6 =	sor.u32 s6, s21;
	v32 =	vor.u32 $0xF000, v0;
	v1 =	vsel vm12, $0x1180, v1;
	v2 =	vsel vm12, $0x3180, v2  }
0x19: {  	[dreg:$0x12] =	wrdreg s31;
	v33 =	vor.u32 $0xF800, v0;
	s8 =	ssub.s32 s8, s9;
	s9 =	sshrl.u32 s6, $0x3;
	v1 =	vsel vm13, $0x1200, v1;
	v2 =	vsel vm13, $0x3200, v2  }
0x1a: {  	s11 =	simm.s32 $0x1;
	s5 =	sadd.s32 s5, s6;
	s4 =	sadd.s32 s4, s9;
	v3 =	vsel vm14, $0x1280, v1;
	v4 =	vsel vm14, $0x3280, v2;
	v1 =	vor.u32 $0x800, v0  }
0x1b: {  	s6 =	smax.u32 s8, $0x1;
	s8 =	simm.s32 $0x400;
	s9 =	simm.s32 $0x7A1400;
	v2 =	vsel vm15, $0x1300, v3;
	v3 =	vsel vm15, $0x3300, v4;
	v4 =	vor.u32 $0x1000, v0  }
.LBB2_1:
0x1c: {  	s1 =	simm.s32 $0x0  }
0x1d: {  	[tilespmem:s1], [sflag:$0x2] =	stream.linear.gather [hbm4b:s4+s1], $0x200, $0x38;
	[tilespmem:$0x14200] =	vst v63  }
0x1e: {  	_ =	swait.ge [sflag:s7], $0x200  }
0x1f: {  	[sflag:s7] =	ssyncset.done $0x0  }
0x20: {  	[sflag:s7] =	ssyncadd.s32 $0xFFFFFE00  }
0x21: {  	v34 =	vld [tilespmem:s1+$0x0];
	_ =	sdelay $0x4  }
0x22: {  	v35 =	vshrl.u32 v34, $0x7  }
0x23: {  	v35 =	vshll.u32 v35, $0x7  }
0x24: {  	(v2sf) =	vpush v35, $0x0;
	_ =	sdelay $0x1  }
0x25: {  	(v2sf) =	vpush v35, $0x1;
	_ =	sdelay $0x1  }
0x26: {  	(v2sf) =	vpush v35, $0x2;
	_ =	sdelay $0x3  }
0x27: {  	(v2sf) =	vpush v35, $0x3;
	_ =	sdelay $0x4  }
0x28: {  	(v2sf) =	vpush v35, $0x4;
	_ =	sdelay $0x1  }
0x29: {  	s16 =	spop (v2sf);
	(v2sf) =	vpush v35, $0x5;
	_ =	sdelay $0x1  }
0x2a: {  	s17 =	spop (v2sf);
	(v2sf) =	vpush v35, $0x6;
	_ =	sdelay $0x1  }
0x2b: {  	s25 =	spop (v2sf);
	(v2sf) =	vpush v35, $0x7  }
0x2c: {  	s16 =	sand.u32 $0x1FFFFF80, s16  }
0x2d: {  	s18 =	rddreg [dreg:$0x4];
	s16 =	sadd.s32 s0, s16;
	s17 =	sand.u32 $0x1FFFFF80, s17  }
0x2e: {  	[tilespmem:s10], [sflag:$0x1] =	stream.strided.gather [hbm4b:s16+s8], $0x1000, s9, s8, $0x38;
	[tilespmem:$0x14200] =	vst v63  }
0x2f: {  	s23 =	sadd.s32 s0, s17;
	s17 =	sand.u32 $0x1FFFFF80, s25;
	s28 =	spop (v2sf)  }
0x30: {  	(v2sf) =	vpush v35, $0x8;
	[tilespmem:s18], [sflag:$0x1] =	stream.strided.gather [hbm4b:s23+s8], $0x1000, s9, s8, $0x38;
	[tilespmem:$0x14200] =	vst v63  }
0x31: {  	s24 =	rddreg [dreg:$0x5];
	s17 =	sadd.s32 s0, s17  }
0x32: {  	[tilespmem:s24], [sflag:$0x1] =	stream.strided.gather [hbm4b:s17+s8], $0x1000, s9, s8, $0x38;
	[tilespmem:$0x14200] =	vst v63  }
0x33: {  	s17 =	sand.u32 $0x1FFFFF80, s28  }
0x34: {  	s26 =	rddreg [dreg:$0x6];
	s30 =	spop (v2sf);
	s17 =	sadd.s32 s0, s17  }
0x35: {  	[tilespmem:s26], [sflag:$0x1] =	stream.strided.gather [hbm4b:s17+s8], $0x1000, s9, s8, $0x38;
	[tilespmem:$0x14200] =	vst v63  }
0x36: {  	s1 =	spop (v2sf);
	(v2sf) =	vpush v35, $0x9  }
0x37: {  	s17 =	sand.u32 $0x1FFFFF80, s30  }
0x38: {  	s29 =	rddreg [dreg:$0x7];
	s17 =	sadd.s32 s0, s17;
	s3 =	spop (v2sf);
	(v2sf) =	vpush v35, $0xA  }
0x39: {  	[tilespmem:s29], [sflag:$0x1] =	stream.strided.gather [hbm4b:s17+s8], $0x1000, s9, s8, $0x38;
	[tilespmem:$0x14200] =	vst v63  }
0x3a: {  	s14 =	spop (v2sf);
	(v2sf) =	vpush v35, $0xB  }
0x3b: {  	s17 =	sand.u32 $0x1FFFFF80, s1  }
0x3c: {  	s31 =	rddreg [dreg:$0x8];
	s17 =	sadd.s32 s0, s17  }
0x3d: {  	[tilespmem:s31], [sflag:$0x1] =	stream.strided.gather [hbm4b:s17+s8], $0x1000, s9, s8, $0x38;
	[tilespmem:$0x14200] =	vst v63  }
0x3e: {  	s17 =	sand.u32 $0x1FFFFF80, s3  }
0x3f: {  	s2 =	rddreg [dreg:$0x9];
	s19 =	spop (v2sf);
	s17 =	sadd.s32 s0, s17  }
0x40: {  	(v2sf) =	vpush v35, $0xC;
	[tilespmem:s2], [sflag:$0x1] =	stream.strided.gather [hbm4b:s17+s8], $0x1000, s9, s8, $0x38;
	[tilespmem:$0x14200] =	vst v63  }
0x41: {  	s17 =	sand.u32 $0x1FFFFF80, s14  }
0x42: {  	s13 =	rddreg [dreg:$0xa];
	s17 =	sadd.s32 s0, s17  }
0x43: {  	[tilespmem:s13], [sflag:$0x1] =	stream.strided.gather [hbm4b:s17+s8], $0x1000, s9, s8, $0x38;
	[tilespmem:$0x14200] =	vst v63  }
0x44: {  	s17 =	sand.u32 $0x1FFFFF80, s19  }
0x45: {  	s18 =	rddreg [dreg:$0xb];
	s17 =	sadd.s32 s0, s17;
	s21 =	spop (v2sf);
	(v2sf) =	vpush v35, $0xD  }
0x46: {  	[tilespmem:s18], [sflag:$0x1] =	stream.strided.gather [hbm4b:s17+s8], $0x1000, s9, s8, $0x38;
	[tilespmem:$0x14200] =	vst v63  }
0x47: {  	s23 =	spop (v2sf);
	(v2sf) =	vpush v35, $0xE  }
0x48: {  	s17 =	sand.u32 $0x1FFFFF80, s21  }
0x49: {  	s20 =	rddreg [dreg:$0xc];
	s17 =	sadd.s32 s0, s17;
	s25 =	spop (v2sf);
	(v2sf) =	vpush v35, $0xF  }
0x4a: {  	[tilespmem:s20], [sflag:$0x1] =	stream.strided.gather [hbm4b:s17+s8], $0x1000, s9, s8, $0x38;
	[tilespmem:$0x14200] =	vst v63  }
0x4b: {  	s17 =	sand.u32 $0x1FFFFF80, s23  }
0x4c: {  	s22 =	rddreg [dreg:$0xd];
	s17 =	sadd.s32 s0, s17  }
0x4d: {  	[tilespmem:s22], [sflag:$0x1] =	stream.strided.gather [hbm4b:s17+s8], $0x1000, s9, s8, $0x38;
	[tilespmem:$0x14200] =	vst v63  }
0x4e: {  	s17 =	sand.u32 $0x1FFFFF80, s25  }
0x4f: {  	s24 =	rddreg [dreg:$0xe];
	s28 =	spop (v2sf);
	s17 =	sadd.s32 s0, s17  }
0x50: {  	[tilespmem:s24], [sflag:$0x1] =	stream.strided.gather [hbm4b:s17+s8], $0x1000, s9, s8, $0x38;
	[tilespmem:$0x14200] =	vst v63  }
0x51: {  	s17 =	sand.u32 $0x1FFFFF80, s28  }
0x52: {  	s26 =	rddreg [dreg:$0xf];
	s17 =	sadd.s32 s0, s17  }
0x53: {  	[tilespmem:s26], [sflag:$0x1] =	stream.strided.gather [hbm4b:s17+s8], $0x1000, s9, s8, $0x38;
	[tilespmem:$0x14200] =	vst v63  }
0x54: {  	s30 =	spop (v2sf)  }
0x55: {  	s17 =	sand.u32 $0x1FFFFF80, s30  }
0x56: {  	s29 =	rddreg [dreg:$0x10];
	s1 =	spop (v2sf);
	s17 =	sadd.s32 s0, s17  }
0x57: {  	[tilespmem:s29], [sflag:$0x1] =	stream.strided.gather [hbm4b:s17+s8], $0x1000, s9, s8, $0x38;
	[tilespmem:$0x14200] =	vst v63  }
0x58: {  	v34 =	vand.u32 $0x7F, v34;
	s2 =	spop (v2sf);
	s17 =	sand.u32 $0x1FFFFF80, s1  }
0x59: {  	v61 =	vbroadcast v34, $0x0;
	s31 =	rddreg [dreg:$0x11];
	s16 =	sand.u32 $0x1FFFFF80, s2;
	s17 =	sadd.s32 s0, s17  }
0x5a: {  	[tilespmem:s31], [sflag:$0x1] =	stream.strided.gather [hbm4b:s17+s8], $0x1000, s9, s8, $0x38;
	[tilespmem:$0x14200] =	vst v63  }
0x5b: {  	v36 =	vor.u32 v0, v61;
	s3 =	rddreg [dreg:$0x12];
	s13 =	simm.s32 $0x0;
	s16 =	sadd.s32 s0, s16  }
0x5c: {  	v37 =	vmov s13;
	v35 =	vor.u32 v1, v61;
	[tilespmem:s3], [sflag:$0x1] =	stream.strided.gather [hbm4b:s16+s8], $0x1000, s9, s8, $0x38;
	[tilespmem:$0x14200] =	vst v63  }
0x5d: {  	v38 =	vshll.u32 v37, $0x3;
	_ =	swait.ge [sflag:s11], $0x1000  }
0x5e: {  	v37 =	vand.u32 $0x70, v37;
	v38 =	vand.u32 $0xC00, v38;
	[sflag:s11] =	ssyncset.done $0x0  }
0x5f: {  	v37 =	vor.u32 v37, v38;
	[sflag:s11] =	ssyncadd.s32 $0xFFFFF000  }
0x60: {  	v38 =	vor.u32 v2, v37;
	v36 =	vld.idx.msk [tilespmem:v36+s10+$0x0], $0xffff  }
0x61: {  	v37 =	vor.u32 v3, v37;
	v35 =	vld.idx.msk [tilespmem:v35+s10+$0x0], $0xffff;
	_ =	sdelay $0x1  }
0x62: {  	v39 =	vbroadcast v34, $0x1;
	_ =	sdelay $0x1  }
0x63: {  	v62 =	vor.u32 v4, v39;
	s14 =	simm.s32 $0x1;
	[tilespmem:v38+s12+$0x0] =	vst.idx.msk $0xffff, v36  }
0x64: {  	v63 =	vor.u32 v5, v39;
	v40 =	vmov s14;
	[tilespmem:v37+s12+$0x0] =	vst.idx.msk $0xffff, v35  }
0x65: {  	v41 =	vshll.u32 v40, $0x3;
	_ =	swait.ge [sflag:s11], $0x1000  }
0x66: {  	v38 =	vand.u32 $0xC00, v41;
	v37 =	vand.u32 $0x71, v40;
	[sflag:s11] =	ssyncset.done $0x0  }
0x67: {  	v37 =	vor.u32 v37, v38;
	[sflag:s11] =	ssyncadd.s32 $0xFFFFF000  }
0x68: {  	v38 =	vor.u32 v2, v37;
	v36 =	vld.idx.msk [tilespmem:v62+s10+$0x0], $0xffff  }
0x69: {  	v37 =	vor.u32 v3, v37;
	v35 =	vld.idx.msk [tilespmem:v63+s10+$0x0], $0xffff;
	_ =	sdelay $0x1  }
0x6a: {  	v42 =	vbroadcast v34, $0x2;
	_ =	sdelay $0x1  }
0x6b: {  	v43 =	vor.u32 v6, v42;
	s17 =	simm.s32 $0x2;
	[tilespmem:v38+s12+$0x0] =	vst.idx.msk $0xffff, v36  }
0x6c: {  	v44 =	vor.u32 v7, v42;
	v45 =	vmov s17;
	[tilespmem:v37+s12+$0x0] =	vst.idx.msk $0xffff, v35  }
0x6d: {  	v46 =	vshll.u32 v45, $0x3;
	_ =	swait.ge [sflag:s11], $0x1000  }
0x6e: {  	v38 =	vand.u32 $0xC00, v46;
	v37 =	vand.u32 $0x72, v45;
	[sflag:s11] =	ssyncset.done $0x0  }
0x6f: {  	v37 =	vor.u32 v37, v38;
	[sflag:s11] =	ssyncadd.s32 $0xFFFFF000  }
0x70: {  	v38 =	vor.u32 v2, v37;
	v36 =	vld.idx.msk [tilespmem:v43+s10+$0x0], $0xffff  }
0x71: {  	v37 =	vor.u32 v3, v37;
	v35 =	vld.idx.msk [tilespmem:v44+s10+$0x0], $0xffff;
	_ =	sdelay $0x1  }
0x72: {  	v47 =	vbroadcast v34, $0x3;
	_ =	sdelay $0x1  }
0x73: {  	v48 =	vor.u32 v8, v47;
	s18 =	simm.s32 $0x3;
	[tilespmem:v38+s12+$0x0] =	vst.idx.msk $0xffff, v36  }
0x74: {  	v49 =	vor.u32 v9, v47;
	v50 =	vmov s18;
	[tilespmem:v37+s12+$0x0] =	vst.idx.msk $0xffff, v35  }
0x75: {  	v51 =	vshll.u32 v50, $0x3;
	_ =	swait.ge [sflag:s11], $0x1000  }
0x76: {  	v38 =	vand.u32 $0xC00, v51;
	v37 =	vand.u32 $0x73, v50;
	[sflag:s11] =	ssyncset.done $0x0  }
0x77: {  	v37 =	vor.u32 v37, v38;
	[sflag:s11] =	ssyncadd.s32 $0xFFFFF000  }
0x78: {  	v38 =	vor.u32 v2, v37;
	v36 =	vld.idx.msk [tilespmem:v48+s10+$0x0], $0xffff  }
0x79: {  	v37 =	vor.u32 v3, v37;
	v35 =	vld.idx.msk [tilespmem:v49+s10+$0x0], $0xffff;
	_ =	sdelay $0x1  }
0x7a: {  	v52 =	vbroadcast v34, $0x4;
	_ =	sdelay $0x1  }
0x7b: {  	v53 =	vor.u32 v10, v52;
	s19 =	simm.s32 $0x4;
	[tilespmem:v38+s12+$0x0] =	vst.idx.msk $0xffff, v36  }
0x7c: {  	v54 =	vor.u32 v11, v52;
	v55 =	vmov s19;
	[tilespmem:v37+s12+$0x0] =	vst.idx.msk $0xffff, v35  }
0x7d: {  	v56 =	vshll.u32 v55, $0x3;
	_ =	swait.ge [sflag:s11], $0x1000  }
0x7e: {  	v38 =	vand.u32 $0xC00, v56;
	v37 =	vand.u32 $0x74, v55;
	[sflag:s11] =	ssyncset.done $0x0  }
0x7f: {  	v37 =	vor.u32 v37, v38;
	[sflag:s11] =	ssyncadd.s32 $0xFFFFF000  }
0x80: {  	v38 =	vor.u32 v2, v37;
	v36 =	vld.idx.msk [tilespmem:v53+s10+$0x0], $0xffff  }
0x81: {  	v37 =	vor.u32 v3, v37;
	v35 =	vld.idx.msk [tilespmem:v54+s10+$0x0], $0xffff;
	_ =	sdelay $0x1  }
0x82: {  	v57 =	vbroadcast v34, $0x5;
	_ =	sdelay $0x1  }
0x83: {  	v58 =	vor.u32 v12, v57;
	s20 =	simm.s32 $0x5;
	[tilespmem:v38+s12+$0x0] =	vst.idx.msk $0xffff, v36  }
0x84: {  	v59 =	vor.u32 v13, v57;
	v60 =	vmov s20;
	[tilespmem:v37+s12+$0x0] =	vst.idx.msk $0xffff, v35  }
0x85: {  	v61 =	vshll.u32 v60, $0x3;
	_ =	swait.ge [sflag:s11], $0x1000  }
0x86: {  	v38 =	vand.u32 $0xC00, v61;
	v37 =	vand.u32 $0x75, v60;
	[sflag:s11] =	ssyncset.done $0x0  }
0x87: {  	v37 =	vor.u32 v37, v38;
	[sflag:s11] =	ssyncadd.s32 $0xFFFFF000  }
0x88: {  	v38 =	vor.u32 v2, v37;
	v36 =	vld.idx.msk [tilespmem:v58+s10+$0x0], $0xffff  }
0x89: {  	v37 =	vor.u32 v3, v37;
	v35 =	vld.idx.msk [tilespmem:v59+s10+$0x0], $0xffff;
	_ =	sdelay $0x1  }
0x8a: {  	v62 =	vbroadcast v34, $0x6;
	_ =	sdelay $0x1  }
0x8b: {  	s21 =	simm.s32 $0x6;
	v63 =	vor.u32 v14, v62;
	[tilespmem:v38+s12+$0x0] =	vst.idx.msk $0xffff, v36  }
0x8c: {  	v41 =	vmov s21;
	v40 =	vor.u32 v15, v62;
	[tilespmem:v37+s12+$0x0] =	vst.idx.msk $0xffff, v35  }
0x8d: {  	v42 =	vshll.u32 v41, $0x3;
	_ =	swait.ge [sflag:s11], $0x1000  }
0x8e: {  	v38 =	vand.u32 $0xC00, v42;
	v37 =	vand.u32 $0x76, v41;
	[sflag:s11] =	ssyncset.done $0x0  }
0x8f: {  	v37 =	vor.u32 v37, v38;
	[sflag:s11] =	ssyncadd.s32 $0xFFFFF000  }
0x90: {  	v38 =	vor.u32 v2, v37;
	v36 =	vld.idx.msk [tilespmem:v63+s10+$0x0], $0xffff  }
0x91: {  	v37 =	vor.u32 v3, v37;
	v35 =	vld.idx.msk [tilespmem:v40+s10+$0x0], $0xffff;
	_ =	sdelay $0x1  }
0x92: {  	v43 =	vbroadcast v34, $0x7;
	_ =	sdelay $0x1  }
0x93: {  	s22 =	simm.s32 $0x7;
	v44 =	vor.u32 v16, v43;
	[tilespmem:v38+s12+$0x0] =	vst.idx.msk $0xffff, v36  }
0x94: {  	v46 =	vmov s22;
	v45 =	vor.u32 v17, v43;
	[tilespmem:v37+s12+$0x0] =	vst.idx.msk $0xffff, v35  }
0x95: {  	v47 =	vshll.u32 v46, $0x3;
	_ =	swait.ge [sflag:s11], $0x1000  }
0x96: {  	v38 =	vand.u32 $0xC00, v47;
	v37 =	vand.u32 $0x77, v46;
	[sflag:s11] =	ssyncset.done $0x0  }
0x97: {  	v37 =	vor.u32 v37, v38;
	[sflag:s11] =	ssyncadd.s32 $0xFFFFF000  }
0x98: {  	v38 =	vor.u32 v2, v37;
	v36 =	vld.idx.msk [tilespmem:v44+s10+$0x0], $0xffff  }
0x99: {  	v37 =	vor.u32 v3, v37;
	v35 =	vld.idx.msk [tilespmem:v45+s10+$0x0], $0xffff;
	_ =	sdelay $0x1  }
0x9a: {  	v48 =	vbroadcast v34, $0x8;
	_ =	sdelay $0x1  }
0x9b: {  	s23 =	simm.s32 $0x8;
	v49 =	vor.u32 v18, v48;
	[tilespmem:v38+s12+$0x0] =	vst.idx.msk $0xffff, v36  }
0x9c: {  	v51 =	vmov s23;
	v50 =	vor.u32 v19, v48;
	[tilespmem:v37+s12+$0x0] =	vst.idx.msk $0xffff, v35  }
0x9d: {  	v52 =	vshll.u32 v51, $0x3;
	_ =	swait.ge [sflag:s11], $0x1000  }
0x9e: {  	v38 =	vand.u32 $0xC00, v52;
	v37 =	vand.u32 $0x78, v51;
	[sflag:s11] =	ssyncset.done $0x0  }
0x9f: {  	v37 =	vor.u32 v37, v38;
	[sflag:s11] =	ssyncadd.s32 $0xFFFFF000  }
0xa0: {  	v38 =	vor.u32 v2, v37;
	v36 =	vld.idx.msk [tilespmem:v49+s10+$0x0], $0xffff  }
0xa1: {  	v37 =	vor.u32 v3, v37;
	v35 =	vld.idx.msk [tilespmem:v50+s10+$0x0], $0xffff;
	_ =	sdelay $0x1  }
0xa2: {  	v53 =	vbroadcast v34, $0x9;
	_ =	sdelay $0x1  }
0xa3: {  	s24 =	simm.s32 $0x9;
	v54 =	vor.u32 v20, v53;
	[tilespmem:v38+s12+$0x0] =	vst.idx.msk $0xffff, v36  }
0xa4: {  	v56 =	vmov s24;
	v55 =	vor.u32 v21, v53;
	[tilespmem:v37+s12+$0x0] =	vst.idx.msk $0xffff, v35  }
0xa5: {  	v57 =	vshll.u32 v56, $0x3;
	_ =	swait.ge [sflag:s11], $0x1000  }
0xa6: {  	v38 =	vand.u32 $0xC00, v57;
	v37 =	vand.u32 $0x79, v56;
	[sflag:s11] =	ssyncset.done $0x0  }
0xa7: {  	v37 =	vor.u32 v37, v38;
	[sflag:s11] =	ssyncadd.s32 $0xFFFFF000  }
0xa8: {  	v38 =	vor.u32 v2, v37;
	v36 =	vld.idx.msk [tilespmem:v54+s10+$0x0], $0xffff  }
0xa9: {  	v37 =	vor.u32 v3, v37;
	v35 =	vld.idx.msk [tilespmem:v55+s10+$0x0], $0xffff;
	_ =	sdelay $0x1  }
0xaa: {  	v58 =	vbroadcast v34, $0xA;
	_ =	sdelay $0x1  }
0xab: {  	s25 =	simm.s32 $0xA;
	v59 =	vor.u32 v22, v58;
	[tilespmem:v38+s12+$0x0] =	vst.idx.msk $0xffff, v36  }
0xac: {  	v61 =	vmov s25;
	v60 =	vor.u32 v23, v58;
	[tilespmem:v37+s12+$0x0] =	vst.idx.msk $0xffff, v35  }
0xad: {  	v62 =	vshll.u32 v61, $0x3;
	_ =	swait.ge [sflag:s11], $0x1000  }
0xae: {  	v38 =	vand.u32 $0xC00, v62;
	v37 =	vand.u32 $0x7A, v61;
	[sflag:s11] =	ssyncset.done $0x0  }
0xaf: {  	v37 =	vor.u32 v37, v38;
	[sflag:s11] =	ssyncadd.s32 $0xFFFFF000  }
0xb0: {  	v38 =	vor.u32 v2, v37;
	v36 =	vld.idx.msk [tilespmem:v59+s10+$0x0], $0xffff  }
0xb1: {  	v37 =	vor.u32 v3, v37;
	v35 =	vld.idx.msk [tilespmem:v60+s10+$0x0], $0xffff;
	_ =	sdelay $0x1  }
0xb2: {  	v63 =	vbroadcast v34, $0xB;
	_ =	sdelay $0x1  }
0xb3: {  	s26 =	simm.s32 $0xB;
	v42 =	vor.u32 v24, v63;
	[tilespmem:v38+s12+$0x0] =	vst.idx.msk $0xffff, v36  }
0xb4: {  	v43 =	vor.u32 v25, v63;
	v44 =	vmov s26;
	[tilespmem:v37+s12+$0x0] =	vst.idx.msk $0xffff, v35  }
0xb5: {  	v45 =	vshll.u32 v44, $0x3;
	_ =	swait.ge [sflag:s11], $0x1000  }
0xb6: {  	v38 =	vand.u32 $0xC00, v45;
	v37 =	vand.u32 $0x7B, v44;
	[sflag:s11] =	ssyncset.done $0x0  }
0xb7: {  	v37 =	vor.u32 v37, v38;
	[sflag:s11] =	ssyncadd.s32 $0xFFFFF000  }
0xb8: {  	v38 =	vor.u32 v2, v37;
	v36 =	vld.idx.msk [tilespmem:v42+s10+$0x0], $0xffff  }
0xb9: {  	v37 =	vor.u32 v3, v37;
	v35 =	vld.idx.msk [tilespmem:v43+s10+$0x0], $0xffff;
	_ =	sdelay $0x1  }
0xba: {  	v46 =	vbroadcast v34, $0xC;
	_ =	sdelay $0x1  }
0xbb: {  	s28 =	simm.s32 $0xC;
	v47 =	vor.u32 v26, v46;
	[tilespmem:v38+s12+$0x0] =	vst.idx.msk $0xffff, v36  }
0xbc: {  	v48 =	vor.u32 v27, v46;
	v49 =	vmov s28;
	[tilespmem:v37+s12+$0x0] =	vst.idx.msk $0xffff, v35  }
0xbd: {  	v50 =	vshll.u32 v49, $0x3;
	_ =	swait.ge [sflag:s11], $0x1000  }
0xbe: {  	v38 =	vand.u32 $0xC00, v50;
	v37 =	vand.u32 $0x7C, v49;
	[sflag:s11] =	ssyncset.done $0x0  }
0xbf: {  	v37 =	vor.u32 v37, v38;
	[sflag:s11] =	ssyncadd.s32 $0xFFFFF000  }
0xc0: {  	v38 =	vor.u32 v2, v37;
	v36 =	vld.idx.msk [tilespmem:v47+s10+$0x0], $0xffff  }
0xc1: {  	v37 =	vor.u32 v3, v37;
	v35 =	vld.idx.msk [tilespmem:v48+s10+$0x0], $0xffff;
	_ =	sdelay $0x1  }
0xc2: {  	v51 =	vbroadcast v34, $0xD;
	_ =	sdelay $0x1  }
0xc3: {  	s29 =	simm.s32 $0xD;
	v52 =	vor.u32 v28, v51;
	[tilespmem:v38+s12+$0x0] =	vst.idx.msk $0xffff, v36  }
0xc4: {  	v53 =	vor.u32 v29, v51;
	v54 =	vmov s29;
	[tilespmem:v37+s12+$0x0] =	vst.idx.msk $0xffff, v35  }
0xc5: {  	v55 =	vshll.u32 v54, $0x3;
	_ =	swait.ge [sflag:s11], $0x1000  }
0xc6: {  	v38 =	vand.u32 $0xC00, v55;
	v37 =	vand.u32 $0x7D, v54;
	[sflag:s11] =	ssyncset.done $0x0  }
0xc7: {  	v37 =	vor.u32 v37, v38;
	[sflag:s11] =	ssyncadd.s32 $0xFFFFF000  }
0xc8: {  	v38 =	vor.u32 v2, v37;
	v36 =	vld.idx.msk [tilespmem:v52+s10+$0x0], $0xffff  }
0xc9: {  	v37 =	vor.u32 v3, v37;
	v35 =	vld.idx.msk [tilespmem:v53+s10+$0x0], $0xffff;
	_ =	sdelay $0x1  }
0xca: {  	v56 =	vbroadcast v34, $0xE;
	_ =	sdelay $0x1  }
0xcb: {  	s30 =	simm.s32 $0xE;
	v57 =	vor.u32 v30, v56;
	[tilespmem:v38+s12+$0x0] =	vst.idx.msk $0xffff, v36  }
0xcc: {  	v58 =	vor.u32 v31, v56;
	v59 =	vmov s30;
	[tilespmem:v37+s12+$0x0] =	vst.idx.msk $0xffff, v35  }
0xcd: {  	v60 =	vshll.u32 v59, $0x3;
	_ =	swait.ge [sflag:s11], $0x1000  }
0xce: {  	v38 =	vand.u32 $0xC00, v60;
	v37 =	vand.u32 $0x7E, v59;
	[sflag:s11] =	ssyncset.done $0x0  }
0xcf: {  	v37 =	vor.u32 v37, v38;
	[sflag:s11] =	ssyncadd.s32 $0xFFFFF000  }
0xd0: {  	v38 =	vor.u32 v2, v37;
	v36 =	vld.idx.msk [tilespmem:v57+s10+$0x0], $0xffff  }
0xd1: {  	v37 =	vor.u32 v3, v37;
	v35 =	vld.idx.msk [tilespmem:v58+s10+$0x0], $0xffff;
	_ =	sdelay $0x1  }
0xd2: {  	v34 =	vbroadcast v34, $0xF;
	_ =	sdelay $0x1  }
0xd3: {  	s31 =	simm.s32 $0xF;
	v61 =	vor.u32 v32, v34;
	[tilespmem:v38+s12+$0x0] =	vst.idx.msk $0xffff, v36  }
0xd4: {  	v62 =	vmov s31;
	[tilespmem:v37+s12+$0x0] =	vst.idx.msk $0xffff, v35  }
0xd5: {  	v63 =	vshll.u32 v62, $0x3;
	_ =	swait.ge [sflag:s11], $0x1000  }
0xd6: {  	v35 =	vand.u32 $0x7F, v62;
	v37 =	vand.u32 $0xC00, v63;
	[sflag:s11] =	ssyncset.done $0x0  }
0xd7: {  	v35 =	vor.u32 v35, v37;
	[sflag:s11] =	ssyncadd.s32 $0xFFFFF000  }
0xd8: {  	v34 =	vor.u32 v33, v34;
	v37 =	vor.u32 v2, v35;
	v36 =	vld.idx.msk [tilespmem:v61+s10+$0x0], $0xffff;
	_ =	sdelay $0x4  }
0xd9: {  	s17 =	simm.s32 $0x0;
	s16 =	simm.s32 $0x1F;
	v35 =	vor.u32 v3, v35;
	v34 =	vld.idx.msk [tilespmem:v34+s10+$0x0], $0xffff;
	[tilespmem:v37+s12+$0x0] =	vst.idx.msk $0xffff, v36  }
.LBB2_2:
0xda: {  	_ =	sdelay $0x3  }
0xdb: {  	s17 =	sadd.s32 $0x10, s17;
	[tilespmem:v35+s12+$0x0] =	vst.idx.msk $0xffff, v34  }
0xdc: {  	v34 =	vld [tilespmem:s17+$0x0];
	_ =	sdelay $0x4  }
0xdd: {  	v61 =	vshrl.u32 v34, $0x7  }
0xde: {  	v50 =	vshll.u32 v61, $0x7  }
0xdf: {  	(v2sf) =	vpush v50, $0x0  }
0xe0: {  	(v2sf) =	vpush v50, $0x1  }
0xe1: {  	(v2sf) =	vpush v50, $0x2;
	_ =	sdelay $0x1  }
0xe2: {  	s20 =	rddreg [dreg:$0x10];
	(v2sf) =	vpush v50, $0x3  }
0xe3: {  	s21 =	rddreg [dreg:$0xf]  }
0xe4: {  	s22 =	rddreg [dreg:$0xe];
	(v2sf) =	vpush v50, $0x4  }
0xe5: {  	s23 =	rddreg [dreg:$0xd]  }
0xe6: {  	s24 =	rddreg [dreg:$0xc];
	(v2sf) =	vpush v50, $0x5  }
0xe7: {  	s25 =	rddreg [dreg:$0xb]  }
0xe8: {  	s26 =	rddreg [dreg:$0xa];
	(v2sf) =	vpush v50, $0x6  }
0xe9: {  	s28 =	rddreg [dreg:$0x9]  }
0xea: {  	s29 =	rddreg [dreg:$0x8];
	(v2sf) =	vpush v50, $0x7  }
0xeb: {  	s30 =	rddreg [dreg:$0x7]  }
0xec: {  	s31 =	rddreg [dreg:$0x6];
	(v2sf) =	vpush v50, $0x8  }
0xed: {  	s18 =	smov.u32 s16;
	s1 =	rddreg [dreg:$0x5];
	s3 =	spop (v2sf)  }
0xee: {  	s13 =	rddreg [dreg:$0x4];
	s3 =	sand.u32 $0x1FFFFF80, s3;
	s14 =	spop (v2sf);
	(v2sf) =	vpush v50, $0x9  }
0xef: {  	s3 =	sadd.s32 s0, s3;
	s14 =	sand.u32 $0x1FFFFF80, s14;
	s2 =	spop (v2sf)  }
0xf0: {  	(v2sf) =	vpush v50, $0xA;
	[tilespmem:s10], [sflag:$0x1] =	stream.strided.gather [hbm4b:s3+s8], $0x1000, s9, s8, $0x38;
	[tilespmem:$0x14200] =	vst v63  }
0xf1: {  	s3 =	sadd.s32 s0, s14;
	s2 =	sand.u32 $0x1FFFFF80, s2;
	s14 =	spop (v2sf)  }
0xf2: {  	(v2sf) =	vpush v50, $0xB;
	[tilespmem:s13], [sflag:$0x1] =	stream.strided.gather [hbm4b:s3+s8], $0x1000, s9, s8, $0x38;
	[tilespmem:$0x14200] =	vst v63  }
0xf3: {  	s2 =	sadd.s32 s0, s2;
	s13 =	sand.u32 $0x1FFFFF80, s14;
	s14 =	spop (v2sf)  }
0xf4: {  	(v2sf) =	vpush v50, $0xC;
	[tilespmem:s1], [sflag:$0x1] =	stream.strided.gather [hbm4b:s2+s8], $0x1000, s9, s8, $0x38;
	[tilespmem:$0x14200] =	vst v63  }
0xf5: {  	s3 =	sadd.s32 s0, s13;
	s13 =	sand.u32 $0x1FFFFF80, s14;
	s14 =	spop (v2sf)  }
0xf6: {  	(v2sf) =	vpush v50, $0xD;
	[tilespmem:s31], [sflag:$0x1] =	stream.strided.gather [hbm4b:s3+s8], $0x1000, s9, s8, $0x38;
	[tilespmem:$0x14200] =	vst v63  }
0xf7: {  	s2 =	sadd.s32 s0, s13;
	s13 =	spop (v2sf);
	s3 =	sand.u32 $0x1FFFFF80, s14  }
0xf8: {  	(v2sf) =	vpush v50, $0xE;
	[tilespmem:s30], [sflag:$0x1] =	stream.strided.gather [hbm4b:s2+s8], $0x1000, s9, s8, $0x38;
	[tilespmem:$0x14200] =	vst v63  }
0xf9: {  	s31 =	spop (v2sf);
	s14 =	sadd.s32 s0, s3;
	s30 =	sand.u32 $0x1FFFFF80, s13  }
0xfa: {  	(v2sf) =	vpush v50, $0xF;
	[tilespmem:s29], [sflag:$0x1] =	stream.strided.gather [hbm4b:s14+s8], $0x1000, s9, s8, $0x38;
	[tilespmem:$0x14200] =	vst v63  }
0xfb: {  	s13 =	sand.u32 $0x1FFFFF80, s31;
	s2 =	sadd.s32 s0, s30;
	s14 =	spop (v2sf)  }
0xfc: {  	[tilespmem:s28], [sflag:$0x1] =	stream.strided.gather [hbm4b:s2+s8], $0x1000, s9, s8, $0x38;
	[tilespmem:$0x14200] =	vst v63  }
0xfd: {  	s29 =	sadd.s32 s0, s13;
	s30 =	sand.u32 $0x1FFFFF80, s14;
	s31 =	spop (v2sf)  }
0xfe: {  	[tilespmem:s26], [sflag:$0x1] =	stream.strided.gather [hbm4b:s29+s8], $0x1000, s9, s8, $0x38;
	[tilespmem:$0x14200] =	vst v63  }
0xff: {  	s2 =	sadd.s32 s0, s30;
	s13 =	sand.u32 $0x1FFFFF80, s31;
	s14 =	spop (v2sf)  }
0x100: {  	[tilespmem:s25], [sflag:$0x1] =	stream.strided.gather [hbm4b:s2+s8], $0x1000, s9, s8, $0x38;
	[tilespmem:$0x14200] =	vst v63  }
0x101: {  	s26 =	sand.u32 $0x1FFFFF80, s14;
	s28 =	spop (v2sf);
	s25 =	sadd.s32 s0, s13  }
0x102: {  	[tilespmem:s24], [sflag:$0x1] =	stream.strided.gather [hbm4b:s25+s8], $0x1000, s9, s8, $0x38;
	[tilespmem:$0x14200] =	vst v63  }
0x103: {  	s29 =	sadd.s32 s0, s26;
	s30 =	sand.u32 $0x1FFFFF80, s28;
	s31 =	spop (v2sf)  }
0x104: {  	[tilespmem:s23], [sflag:$0x1] =	stream.strided.gather [hbm4b:s29+s8], $0x1000, s9, s8, $0x38;
	[tilespmem:$0x14200] =	vst v63  }
0x105: {  	s2 =	sadd.s32 s0, s30;
	s3 =	sand.u32 $0x1FFFFF80, s31;
	s13 =	spop (v2sf)  }
0x106: {  	[tilespmem:s22], [sflag:$0x1] =	stream.strided.gather [hbm4b:s2+s8], $0x1000, s9, s8, $0x38;
	[tilespmem:$0x14200] =	vst v63  }
0x107: {  	s14 =	sadd.s32 s0, s3;
	s23 =	spop (v2sf);
	s22 =	sand.u32 $0x1FFFFF80, s13  }
0x108: {  	[tilespmem:s21], [sflag:$0x1] =	stream.strided.gather [hbm4b:s14+s8], $0x1000, s9, s8, $0x38;
	[tilespmem:$0x14200] =	vst v63  }
0x109: {  	s25 =	sand.u32 $0x1FFFFF80, s23;
	s26 =	spop (v2sf);
	s24 =	sadd.s32 s0, s22  }
0x10a: {  	v34 =	vand.u32 $0x7F, v34;
	[tilespmem:s20], [sflag:$0x1] =	stream.strided.gather [hbm4b:s24+s8], $0x1000, s9, s8, $0x38;
	[tilespmem:$0x14200] =	vst v63  }
0x10b: {  	s19 =	rddreg [dreg:$0x11];
	v49 =	vbroadcast v34, $0x0;
	s28 =	sadd.s32 s0, s25;
	s29 =	sand.u32 $0x1FFFFF80, s26  }
0x10c: {  	[tilespmem:s19], [sflag:$0x1] =	stream.strided.gather [hbm4b:s28+s8], $0x1000, s9, s8, $0x38;
	[tilespmem:$0x14200] =	vst v63  }
0x10d: {  	v62 =	vor.u32 v0, v49;
	s30 =	rddreg [dreg:$0x12];
	s31 =	sadd.s32 $0xFFFFFFF1, s18;
	s2 =	sadd.s32 s0, s29  }
0x10e: {  	v49 =	vor.u32 v1, v49;
	v51 =	vmov s31;
	[tilespmem:s30], [sflag:$0x1] =	stream.strided.gather [hbm4b:s2+s8], $0x1000, s9, s8, $0x38;
	[tilespmem:$0x14200] =	vst v63  }
0x10f: {  	v52 =	vshll.u32 v51, $0x3;
	_ =	swait.ge [sflag:s11], $0x1000  }
0x110: {  	v51 =	vand.u32 $0x70, v51;
	v52 =	vand.u32 $0xC00, v52;
	[sflag:s11] =	ssyncset.done $0x0  }
0x111: {  	v51 =	vor.u32 v51, v52;
	[sflag:s11] =	ssyncadd.s32 $0xFFFFF000  }
0x112: {  	v52 =	vor.u32 v2, v51;
	v50 =	vld.idx.msk [tilespmem:v62+s10+$0x0], $0xffff  }
0x113: {  	v51 =	vor.u32 v3, v51;
	v49 =	vld.idx.msk [tilespmem:v49+s10+$0x0], $0xffff;
	_ =	sdelay $0x1  }
0x114: {  	v48 =	vbroadcast v34, $0x1;
	_ =	sdelay $0x1  }
0x115: {  	v63 =	vor.u32 v4, v48;
	s13 =	sadd.s32 $0xFFFFFFF2, s18;
	[tilespmem:v52+s12+$0x0] =	vst.idx.msk $0xffff, v50  }
0x116: {  	v48 =	vor.u32 v5, v48;
	v54 =	vmov s13;
	[tilespmem:v51+s12+$0x0] =	vst.idx.msk $0xffff, v49  }
0x117: {  	v55 =	vshll.u32 v54, $0x3;
	_ =	swait.ge [sflag:s11], $0x1000  }
0x118: {  	v49 =	vand.u32 $0x71, v54;
	v51 =	vand.u32 $0xC00, v55;
	[sflag:s11] =	ssyncset.done $0x0  }
0x119: {  	v49 =	vor.u32 v49, v51;
	[sflag:s11] =	ssyncadd.s32 $0xFFFFF000  }
0x11a: {  	v51 =	vor.u32 v2, v49;
	v50 =	vld.idx.msk [tilespmem:v63+s10+$0x0], $0xffff  }
0x11b: {  	v49 =	vor.u32 v3, v49;
	v48 =	vld.idx.msk [tilespmem:v48+s10+$0x0], $0xffff;
	_ =	sdelay $0x1  }
0x11c: {  	v47 =	vbroadcast v34, $0x2;
	_ =	sdelay $0x1  }
0x11d: {  	v56 =	vor.u32 v6, v47;
	s14 =	sadd.s32 $0xFFFFFFF3, s18;
	[tilespmem:v51+s12+$0x0] =	vst.idx.msk $0xffff, v50  }
0x11e: {  	v47 =	vor.u32 v7, v47;
	v57 =	vmov s14;
	[tilespmem:v49+s12+$0x0] =	vst.idx.msk $0xffff, v48  }
0x11f: {  	v58 =	vshll.u32 v57, $0x3;
	_ =	swait.ge [sflag:s11], $0x1000  }
0x120: {  	v48 =	vand.u32 $0x72, v57;
	v49 =	vand.u32 $0xC00, v58;
	[sflag:s11] =	ssyncset.done $0x0  }
0x121: {  	v48 =	vor.u32 v48, v49;
	[sflag:s11] =	ssyncadd.s32 $0xFFFFF000  }
0x122: {  	v49 =	vor.u32 v2, v48;
	v50 =	vld.idx.msk [tilespmem:v56+s10+$0x0], $0xffff  }
0x123: {  	v48 =	vor.u32 v3, v48;
	v47 =	vld.idx.msk [tilespmem:v47+s10+$0x0], $0xffff;
	_ =	sdelay $0x1  }
0x124: {  	v46 =	vbroadcast v34, $0x3;
	_ =	sdelay $0x1  }
0x125: {  	v59 =	vor.u32 v8, v46;
	s19 =	sadd.s32 $0xFFFFFFF4, s18;
	[tilespmem:v49+s12+$0x0] =	vst.idx.msk $0xffff, v50  }
0x126: {  	v46 =	vor.u32 v9, v46;
	v60 =	vmov s19;
	[tilespmem:v48+s12+$0x0] =	vst.idx.msk $0xffff, v47  }
0x127: {  	v61 =	vshll.u32 v60, $0x3;
	_ =	swait.ge [sflag:s11], $0x1000  }
0x128: {  	v47 =	vand.u32 $0x73, v60;
	v48 =	vand.u32 $0xC00, v61;
	[sflag:s11] =	ssyncset.done $0x0  }
0x129: {  	v47 =	vor.u32 v47, v48;
	[sflag:s11] =	ssyncadd.s32 $0xFFFFF000  }
0x12a: {  	v48 =	vor.u32 v2, v47;
	v49 =	vld.idx.msk [tilespmem:v59+s10+$0x0], $0xffff  }
0x12b: {  	v47 =	vor.u32 v3, v47;
	v46 =	vld.idx.msk [tilespmem:v46+s10+$0x0], $0xffff;
	_ =	sdelay $0x1  }
0x12c: {  	v45 =	vbroadcast v34, $0x4;
	_ =	sdelay $0x1  }
0x12d: {  	s20 =	sadd.s32 $0xFFFFFFF5, s18;
	v62 =	vor.u32 v10, v45;
	[tilespmem:v48+s12+$0x0] =	vst.idx.msk $0xffff, v49  }
0x12e: {  	v45 =	vor.u32 v11, v45;
	v63 =	vmov s20;
	[tilespmem:v47+s12+$0x0] =	vst.idx.msk $0xffff, v46  }
0x12f: {  	v49 =	vshll.u32 v63, $0x3;
	_ =	swait.ge [sflag:s11], $0x1000  }
0x130: {  	v46 =	vand.u32 $0x74, v63;
	v47 =	vand.u32 $0xC00, v49;
	[sflag:s11] =	ssyncset.done $0x0  }
0x131: {  	v46 =	vor.u32 v46, v47;
	[sflag:s11] =	ssyncadd.s32 $0xFFFFF000  }
0x132: {  	v47 =	vor.u32 v2, v46;
	v48 =	vld.idx.msk [tilespmem:v62+s10+$0x0], $0xffff  }
0x133: {  	v46 =	vor.u32 v3, v46;
	v45 =	vld.idx.msk [tilespmem:v45+s10+$0x0], $0xffff;
	_ =	sdelay $0x1  }
0x134: {  	v44 =	vbroadcast v34, $0x5;
	_ =	sdelay $0x1  }
0x135: {  	s21 =	sadd.s32 $0xFFFFFFF6, s18;
	v50 =	vor.u32 v12, v44;
	[tilespmem:v47+s12+$0x0] =	vst.idx.msk $0xffff, v48  }
0x136: {  	v51 =	vmov s21;
	v44 =	vor.u32 v13, v44;
	[tilespmem:v46+s12+$0x0] =	vst.idx.msk $0xffff, v45  }
0x137: {  	v52 =	vshll.u32 v51, $0x3;
	_ =	swait.ge [sflag:s11], $0x1000  }
0x138: {  	v45 =	vand.u32 $0x75, v51;
	v46 =	vand.u32 $0xC00, v52;
	[sflag:s11] =	ssyncset.done $0x0  }
0x139: {  	v45 =	vor.u32 v45, v46;
	[sflag:s11] =	ssyncadd.s32 $0xFFFFF000  }
0x13a: {  	v46 =	vor.u32 v2, v45;
	v47 =	vld.idx.msk [tilespmem:v50+s10+$0x0], $0xffff  }
0x13b: {  	v45 =	vor.u32 v3, v45;
	v44 =	vld.idx.msk [tilespmem:v44+s10+$0x0], $0xffff;
	_ =	sdelay $0x1  }
0x13c: {  	v43 =	vbroadcast v34, $0x6;
	_ =	sdelay $0x1  }
0x13d: {  	v53 =	vor.u32 v14, v43;
	s22 =	sadd.s32 $0xFFFFFFF7, s18;
	[tilespmem:v46+s12+$0x0] =	vst.idx.msk $0xffff, v47  }
0x13e: {  	v43 =	vor.u32 v15, v43;
	v54 =	vmov s22;
	[tilespmem:v45+s12+$0x0] =	vst.idx.msk $0xffff, v44  }
0x13f: {  	v55 =	vshll.u32 v54, $0x3;
	_ =	swait.ge [sflag:s11], $0x1000  }
0x140: {  	v44 =	vand.u32 $0x76, v54;
	v45 =	vand.u32 $0xC00, v55;
	[sflag:s11] =	ssyncset.done $0x0  }
0x141: {  	v44 =	vor.u32 v44, v45;
	[sflag:s11] =	ssyncadd.s32 $0xFFFFF000  }
0x142: {  	v45 =	vor.u32 v2, v44;
	v46 =	vld.idx.msk [tilespmem:v53+s10+$0x0], $0xffff  }
0x143: {  	v44 =	vor.u32 v3, v44;
	v43 =	vld.idx.msk [tilespmem:v43+s10+$0x0], $0xffff;
	_ =	sdelay $0x1  }
0x144: {  	v42 =	vbroadcast v34, $0x7;
	_ =	sdelay $0x1  }
0x145: {  	s23 =	sadd.s32 $0xFFFFFFF8, s18;
	v56 =	vor.u32 v16, v42;
	[tilespmem:v45+s12+$0x0] =	vst.idx.msk $0xffff, v46  }
0x146: {  	v57 =	vmov s23;
	v42 =	vor.u32 v17, v42;
	[tilespmem:v44+s12+$0x0] =	vst.idx.msk $0xffff, v43  }
0x147: {  	v58 =	vshll.u32 v57, $0x3;
	_ =	swait.ge [sflag:s11], $0x1000  }
0x148: {  	v43 =	vand.u32 $0x77, v57;
	v44 =	vand.u32 $0xC00, v58;
	[sflag:s11] =	ssyncset.done $0x0  }
0x149: {  	v43 =	vor.u32 v43, v44;
	[sflag:s11] =	ssyncadd.s32 $0xFFFFF000  }
0x14a: {  	v44 =	vor.u32 v2, v43;
	v45 =	vld.idx.msk [tilespmem:v56+s10+$0x0], $0xffff  }
0x14b: {  	v43 =	vor.u32 v3, v43;
	v42 =	vld.idx.msk [tilespmem:v42+s10+$0x0], $0xffff;
	_ =	sdelay $0x1  }
0x14c: {  	v41 =	vbroadcast v34, $0x8;
	_ =	sdelay $0x1  }
0x14d: {  	s24 =	sadd.s32 $0xFFFFFFF9, s18;
	v59 =	vor.u32 v18, v41;
	[tilespmem:v44+s12+$0x0] =	vst.idx.msk $0xffff, v45  }
0x14e: {  	v60 =	vmov s24;
	v41 =	vor.u32 v19, v41;
	[tilespmem:v43+s12+$0x0] =	vst.idx.msk $0xffff, v42  }
0x14f: {  	v61 =	vshll.u32 v60, $0x3;
	_ =	swait.ge [sflag:s11], $0x1000  }
0x150: {  	v42 =	vand.u32 $0x78, v60;
	v43 =	vand.u32 $0xC00, v61;
	[sflag:s11] =	ssyncset.done $0x0  }
0x151: {  	v42 =	vor.u32 v42, v43;
	[sflag:s11] =	ssyncadd.s32 $0xFFFFF000  }
0x152: {  	v43 =	vor.u32 v2, v42;
	v44 =	vld.idx.msk [tilespmem:v59+s10+$0x0], $0xffff  }
0x153: {  	v42 =	vor.u32 v3, v42;
	v41 =	vld.idx.msk [tilespmem:v41+s10+$0x0], $0xffff;
	_ =	sdelay $0x1  }
0x154: {  	v40 =	vbroadcast v34, $0x9;
	_ =	sdelay $0x1  }
0x155: {  	s25 =	sadd.s32 $0xFFFFFFFA, s18;
	v62 =	vor.u32 v20, v40;
	[tilespmem:v43+s12+$0x0] =	vst.idx.msk $0xffff, v44  }
0x156: {  	v63 =	vmov s25;
	v40 =	vor.u32 v21, v40;
	[tilespmem:v42+s12+$0x0] =	vst.idx.msk $0xffff, v41  }
0x157: {  	v45 =	vshll.u32 v63, $0x3;
	_ =	swait.ge [sflag:s11], $0x1000  }
0x158: {  	v41 =	vand.u32 $0x79, v63;
	v42 =	vand.u32 $0xC00, v45;
	[sflag:s11] =	ssyncset.done $0x0  }
0x159: {  	v41 =	vor.u32 v41, v42;
	[sflag:s11] =	ssyncadd.s32 $0xFFFFF000  }
0x15a: {  	v42 =	vor.u32 v2, v41;
	v43 =	vld.idx.msk [tilespmem:v62+s10+$0x0], $0xffff  }
0x15b: {  	v41 =	vor.u32 v3, v41;
	v40 =	vld.idx.msk [tilespmem:v40+s10+$0x0], $0xffff;
	_ =	sdelay $0x1  }
0x15c: {  	v39 =	vbroadcast v34, $0xA;
	_ =	sdelay $0x1  }
0x15d: {  	s26 =	sadd.s32 $0xFFFFFFFB, s18;
	v46 =	vor.u32 v22, v39;
	[tilespmem:v42+s12+$0x0] =	vst.idx.msk $0xffff, v43  }
0x15e: {  	v47 =	vmov s26;
	v39 =	vor.u32 v23, v39;
	[tilespmem:v41+s12+$0x0] =	vst.idx.msk $0xffff, v40  }
0x15f: {  	v48 =	vshll.u32 v47, $0x3;
	_ =	swait.ge [sflag:s11], $0x1000  }
0x160: {  	v40 =	vand.u32 $0x7A, v47;
	v41 =	vand.u32 $0xC00, v48;
	[sflag:s11] =	ssyncset.done $0x0  }
0x161: {  	v40 =	vor.u32 v40, v41;
	[sflag:s11] =	ssyncadd.s32 $0xFFFFF000  }
0x162: {  	v41 =	vor.u32 v2, v40;
	v42 =	vld.idx.msk [tilespmem:v46+s10+$0x0], $0xffff  }
0x163: {  	v40 =	vor.u32 v3, v40;
	v39 =	vld.idx.msk [tilespmem:v39+s10+$0x0], $0xffff;
	_ =	sdelay $0x1  }
0x164: {  	v38 =	vbroadcast v34, $0xB;
	_ =	sdelay $0x1  }
0x165: {  	s28 =	sadd.s32 $0xFFFFFFFC, s18;
	v49 =	vor.u32 v24, v38;
	[tilespmem:v41+s12+$0x0] =	vst.idx.msk $0xffff, v42  }
0x166: {  	v38 =	vor.u32 v25, v38;
	v50 =	vmov s28;
	[tilespmem:v40+s12+$0x0] =	vst.idx.msk $0xffff, v39  }
0x167: {  	v51 =	vshll.u32 v50, $0x3;
	_ =	swait.ge [sflag:s11], $0x1000  }
0x168: {  	v39 =	vand.u32 $0x7B, v50;
	v40 =	vand.u32 $0xC00, v51;
	[sflag:s11] =	ssyncset.done $0x0  }
0x169: {  	v39 =	vor.u32 v39, v40;
	[sflag:s11] =	ssyncadd.s32 $0xFFFFF000  }
0x16a: {  	v40 =	vor.u32 v2, v39;
	v41 =	vld.idx.msk [tilespmem:v49+s10+$0x0], $0xffff  }
0x16b: {  	v39 =	vor.u32 v3, v39;
	v38 =	vld.idx.msk [tilespmem:v38+s10+$0x0], $0xffff;
	_ =	sdelay $0x1  }
0x16c: {  	v37 =	vbroadcast v34, $0xC;
	_ =	sdelay $0x1  }
0x16d: {  	s29 =	sadd.s32 $0xFFFFFFFD, s18;
	v52 =	vor.u32 v26, v37;
	[tilespmem:v40+s12+$0x0] =	vst.idx.msk $0xffff, v41  }
0x16e: {  	v37 =	vor.u32 v27, v37;
	v53 =	vmov s29;
	[tilespmem:v39+s12+$0x0] =	vst.idx.msk $0xffff, v38  }
0x16f: {  	v54 =	vshll.u32 v53, $0x3;
	_ =	swait.ge [sflag:s11], $0x1000  }
0x170: {  	v38 =	vand.u32 $0x7C, v53;
	v39 =	vand.u32 $0xC00, v54;
	[sflag:s11] =	ssyncset.done $0x0  }
0x171: {  	v38 =	vor.u32 v38, v39;
	[sflag:s11] =	ssyncadd.s32 $0xFFFFF000  }
0x172: {  	v39 =	vor.u32 v2, v38;
	v40 =	vld.idx.msk [tilespmem:v52+s10+$0x0], $0xffff  }
0x173: {  	v38 =	vor.u32 v3, v38;
	v37 =	vld.idx.msk [tilespmem:v37+s10+$0x0], $0xffff;
	_ =	sdelay $0x1  }
0x174: {  	v36 =	vbroadcast v34, $0xD;
	_ =	sdelay $0x1  }
0x175: {  	s30 =	sadd.s32 $0xFFFFFFFE, s18;
	v55 =	vor.u32 v28, v36;
	[tilespmem:v39+s12+$0x0] =	vst.idx.msk $0xffff, v40  }
0x176: {  	v36 =	vor.u32 v29, v36;
	v56 =	vmov s30;
	[tilespmem:v38+s12+$0x0] =	vst.idx.msk $0xffff, v37  }
0x177: {  	v57 =	vshll.u32 v56, $0x3;
	_ =	swait.ge [sflag:s11], $0x1000  }
0x178: {  	v37 =	vand.u32 $0x7D, v56;
	v38 =	vand.u32 $0xC00, v57;
	[sflag:s11] =	ssyncset.done $0x0  }
0x179: {  	v37 =	vor.u32 v37, v38;
	[sflag:s11] =	ssyncadd.s32 $0xFFFFF000  }
0x17a: {  	v38 =	vor.u32 v2, v37;
	v39 =	vld.idx.msk [tilespmem:v55+s10+$0x0], $0xffff  }
0x17b: {  	v37 =	vor.u32 v3, v37;
	v36 =	vld.idx.msk [tilespmem:v36+s10+$0x0], $0xffff;
	_ =	sdelay $0x1  }
0x17c: {  	v35 =	vbroadcast v34, $0xE;
	_ =	sdelay $0x1  }
0x17d: {  	s31 =	sadd.s32 $0xFFFFFFFF, s18;
	v58 =	vor.u32 v30, v35;
	[tilespmem:v38+s12+$0x0] =	vst.idx.msk $0xffff, v39  }
0x17e: {  	v35 =	vor.u32 v31, v35;
	v59 =	vmov s31;
	[tilespmem:v37+s12+$0x0] =	vst.idx.msk $0xffff, v36  }
0x17f: {  	v60 =	vshll.u32 v59, $0x3;
	_ =	swait.ge [sflag:s11], $0x1000  }
0x180: {  	v36 =	vand.u32 $0x7E, v59;
	v37 =	vand.u32 $0xC00, v60;
	[sflag:s11] =	ssyncset.done $0x0  }
0x181: {  	v36 =	vor.u32 v36, v37;
	[sflag:s11] =	ssyncadd.s32 $0xFFFFF000  }
0x182: {  	v37 =	vor.u32 v2, v36;
	v38 =	vld.idx.msk [tilespmem:v58+s10+$0x0], $0xffff  }
0x183: {  	v36 =	vor.u32 v3, v36;
	v35 =	vld.idx.msk [tilespmem:v35+s10+$0x0], $0xffff;
	_ =	sdelay $0x1  }
0x184: {  	v34 =	vbroadcast v34, $0xF;
	_ =	sdelay $0x1  }
0x185: {  	v61 =	vor.u32 v32, v34;
	[tilespmem:v37+s12+$0x0] =	vst.idx.msk $0xffff, v38  }
0x186: {  	v62 =	vmov s18;
	[tilespmem:v36+s12+$0x0] =	vst.idx.msk $0xffff, v35  }
0x187: {  	v63 =	vshll.u32 v62, $0x3;
	_ =	swait.ge [sflag:s11], $0x1000  }
0x188: {  	v35 =	vand.u32 $0x7F, v62;
	v36 =	vand.u32 $0xC00, v63;
	[sflag:s11] =	ssyncset.done $0x0  }
0x189: {  	v35 =	vor.u32 v35, v36;
	[sflag:s11] =	ssyncadd.s32 $0xFFFFF000  }
0x18a: {  	p0 =	sne.s32 s16, $0x1FF;
	v34 =	vor.u32 v33, v34;
	v36 =	vor.u32 v2, v35;
	v37 =	vld.idx.msk [tilespmem:v61+s10+$0x0], $0xffff  }
.Ltmp0:
0x18b: {  	_ = 	snop;
	(pc) =	sbr.rel @p0 .LBB2_2-.Ltmp0, $2  }
0x18c: {  	_ =	sdelay $0x2  }
0x18d: {  	s16 =	sadd.s32 $0x10, s16;
	v35 =	vor.u32 v3, v35;
	v34 =	vld.idx.msk [tilespmem:v34+s10+$0x0], $0xffff;
	[tilespmem:v36+s12+$0x0] =	vst.idx.msk $0xffff, v37  }
0x18e: {  	_ =	sdelay $0x1  }
0x18f: {  	s15 =	sadd.s32 $0x1, s15  }
0x190: {  	p0 =	sne.s32 s15, s6  }
.Ltmp1:
0x191: {  	s1 =	simm.s32 $0x1000;
	s2 =	simm.s32 $0x20000;
	[tilespmem:v35+s12+$0x0] =	vst.idx.msk $0xffff, v34;
	(pc) =	sbr.rel @p0 .LBB2_1-.Ltmp1, $4  }
0x192: {  	[hbm4b:s5+s1] =	stream.strided.scatter [tilespmem:s12], [sflag:$0x2], $0x4000, s2, s1, $0x38;
	[tilespmem:$0x14200] =	vst v63  }
0x193: {  	_ =	swait.ge [sflag:s7], $0x4000  }
0x194: {  	[sflag:s7] =	ssyncset.done $0x0  }
0x195: {  	[sflag:s7] =	ssyncadd.s32 $0xFFFFC000  }
0x196: {  	_ =	sfence.sel $0x180000  }
0x197: {  	[bflag:$0x0] =	sbarrier.arrive $0xFFFF  }
0x198: {  	_ =	strace $0x90000047  }
0x199: {  	s0 =	stileid.u32;
	[bflag:$0x2] =	sbarrier.arrive $0xFFFF  }
0x19a: {  	p0 =	sne.s32 s0, $0x0;
	s0 =	rddreg [dreg:$0x3]  }
0x19b: {  	s0 =	sadd.s32 @!p0 $0x100000, s0  }
0x19c: {  	[sflag:s0] =	ssyncadd.tile.s32 @!p0 $0x1;
	_ =	shalt  }
.Lfunc_end2:
_tile_overlayer_lowered:
.L_overlay_start_2:
0x19d: {  	(tag) =	ssettag $0x2  }
0x19e: {  	s0 =	rddreg [dreg:$0x0];
	s2 =	stileid.u32  }
0x19f: {  	s1 =	rddreg [dreg:$0x1];
	p0 =	sne.s32 s2, $0x0  }
0x1a0: {  	s3 =	rddreg [dreg:$0x2];
	[bflag:$0x3] =	sbarrier.arrive $0xFFFF;
	s2 =	simm.s32 @!p0 $0x1C02  }
0x1a1: {  	[timem:s3], [sflag:s2] =	dma.local @!p0 [hbm:s0], s1  }
0x1a2: {  	s0 =	simm.s32 @!p0 $0x2  }
0x1a3: {  	_ =	swait.ge @!p0 [sflag:s0], s1  }
0x1a4: {  	s1 =	ssub.s32 @!p0 $0x0, s1;
	[sflag:s0] =	ssyncset.done @!p0 $0x0  }
0x1a5: {  	[sflag:s0] =	ssyncadd.s32 @!p0 s1  }
0x1a6: {  	[bflag:$0x3] =	sbarrier.arrive $0xFFFF  }
0x1a7: {  	_ =	shalt  }

</sc_bundles>
